<compile_context>
chip_gen: v7x
topology: tpu7x:2x2x1
jax: 0.10.2.dev20260603
libtpu: 0.0.44.dev20260713+nightly
codegen_flags: <defaults>
</compile_context>

<pallas_src>
import functools

import jax
import jax.numpy as jnp
from jax import lax
from jax.experimental import pallas as pl
from jax.experimental.pallas import tpu as pltpu
from jax.experimental.pallas import tpu_sc as plsc

from jax._src.pallas.mosaic import core as _tpu_core
from jax._src.pallas.mosaic import lowering as _mosaic_lowering

_mosaic_lowering.lowering_rules[_tpu_core.CoreType.SC_VECTOR_SUBCORE][
    lax.tanh_p
] = _mosaic_lowering._tanh_lowering_rule

PI = 3.141592653589793
GAMMA = 12.0
HIDDEN_DIM = 64
EMBEDDING_RANGE = (GAMMA + 2.0) / HIDDEN_DIM

C_AX = PI / EMBEDDING_RANGE
C_AR = 2.0 * PI / EMBEDDING_RANGE

NW = 32
CB = 4
L = 20
CHUNK = CB * L
IDXW = 80


def _body(
    table_hbm, idx_hbm, ax_hbm, ar_hbm,
    idx_v, rows0, rows1, ax0, ar0, ax1, ar1,
    sem_g0, sem_g1, sem_o0, sem_o1,
):
    wid = lax.axis_index("s") * 2 + lax.axis_index("c")
    bpw = ax_hbm.shape[0] // NW
    n_chunks = bpw // CB
    n2 = n_chunks // 2
    idx_rows = idx_v.shape[0]

    pltpu.sync_copy(idx_hbm.at[pl.ds(wid * idx_rows, idx_rows)], idx_v)

    def start_gather(c, rows, sem):
        pltpu.async_copy(table_hbm.at[idx_v.at[c]], rows, sem)

    def drain_gather(rows, sem):
        pltpu.make_async_copy(table_hbm.at[pl.ds(0, CHUNK)], rows, sem).wait()

    def drain_out(ax_b, ar_b, sem):
        pltpu.make_async_copy(ax_hbm.at[pl.ds(0, CB)], ax_b, sem).wait()
        pltpu.make_async_copy(ar_hbm.at[pl.ds(0, CB)], ar_b, sem).wait()

    def compute(rows, ax_b, ar_b):
        @plsc.parallel_loop(0, CHUNK, step=1, unroll=4)
        def row_step(r):
            b = r // L
            t = r - b * L
            for j in range(4):
                x = rows[r, pl.ds(j * 16, 16)]
                ax_b[b, t, pl.ds(j * 16, 16)] = PI * jnp.tanh(x * C_AX)
            for j in range(4):
                x = rows[r, pl.ds(64 + j * 16, 16)]
                u = jnp.tanh(x * C_AR)
                ar_b[b, t, pl.ds(j * 16, 16)] = (PI / 2.0) * u + (PI / 2.0)

    def start_out(c, ax_b, ar_b, sem):
        base = wid * bpw + c * CB
        pltpu.async_copy(ax_b, ax_hbm.at[pl.ds(base, CB)], sem)
        pltpu.async_copy(ar_b, ar_hbm.at[pl.ds(base, CB)], sem)

    start_gather(0, rows0, sem_g0)

    def step(i, carry):
        c0 = 2 * i
        c1 = c0 + 1
        start_gather(c1, rows1, sem_g1)
        drain_gather(rows0, sem_g0)

        @pl.when(i > 0)
        def _():
            drain_out(ax0, ar0, sem_o0)

        compute(rows0, ax0, ar0)
        start_out(c0, ax0, ar0, sem_o0)

        @pl.when(i + 1 < n2)
        def _():
            start_gather(c0 + 2, rows0, sem_g0)

        drain_gather(rows1, sem_g1)

        @pl.when(i > 0)
        def _():
            drain_out(ax1, ar1, sem_o1)

        compute(rows1, ax1, ar1)
        start_out(c1, ax1, ar1, sem_o1)
        return carry

    lax.fori_loop(0, n2, step, 0)
    drain_out(ax0, ar0, sem_o0)
    drain_out(ax1, ar1, sem_o1)


def kernel(entity_embedding, indices):
    b, l = indices.shape
    n = b * l
    assert l == L and b % (NW * CB) == 0 and n % IDXW == 0
    idx2d = indices.reshape(n // IDXW, IDXW)
    idx_rows_per_w = idx2d.shape[0] // NW

    mesh = plsc.VectorSubcoreMesh(core_axis_name="c", subcore_axis_name="s")
    run = functools.partial(
        pl.kernel,
        out_type=[
            jax.ShapeDtypeStruct((b, L, HIDDEN_DIM), jnp.float32),
            jax.ShapeDtypeStruct((b, L, HIDDEN_DIM), jnp.float32),
        ],
        mesh=mesh,
        scratch_types=[
            pltpu.VMEM((idx_rows_per_w, IDXW), jnp.int32),
            pltpu.VMEM((CHUNK, 2 * HIDDEN_DIM), jnp.float32),
            pltpu.VMEM((CHUNK, 2 * HIDDEN_DIM), jnp.float32),
            pltpu.VMEM((CB, L, HIDDEN_DIM), jnp.float32),
            pltpu.VMEM((CB, L, HIDDEN_DIM), jnp.float32),
            pltpu.VMEM((CB, L, HIDDEN_DIM), jnp.float32),
            pltpu.VMEM((CB, L, HIDDEN_DIM), jnp.float32),
            pltpu.SemaphoreType.DMA,
            pltpu.SemaphoreType.DMA,
            pltpu.SemaphoreType.DMA,
            pltpu.SemaphoreType.DMA,
        ],
    )(_body)

    ax, ar = run(entity_embedding, idx2d)
    return ax, ar

# --- scband reference (transcript-rebuilt; emitter-appended) ---
"""Pipeline reference for scband-kgreasoning-3384434230128 (READ-ONLY COPY).

The authoritative reference and input builder live on the scoring server;
editing this copy changes nothing except your own understanding.
"""

import jax, jax.numpy as jnp
import numpy as np

PI = 3.141592653589793
GAMMA = 12.0
HIDDEN_DIM = 64
EMBEDDING_RANGE = (GAMMA + 2.0) / HIDDEN_DIM
NENTITY = 1000000


def setup_inputs(seed: int = 0) -> dict:
    key = jax.random.key(seed)
    k1, k2 = jax.random.split(key)
    entity_embedding = jax.random.uniform(
        k1, (NENTITY, 2 * HIDDEN_DIM), minval=-EMBEDDING_RANGE, maxval=EMBEDDING_RANGE, dtype=jnp.float32
    )
    indices = jax.random.randint(k2, (16384, 20), 0, NENTITY, dtype=jnp.int32)
    return {"entity_embedding": entity_embedding, "indices": indices}


def reference(entity_embedding, indices):
    # KGReasoning (ConE-style) entity embedding lookup path:
    # gather entity rows, split into axis/arg halves, angle-scale, then
    # convert_to_axis / convert_to_arg as in the torch module.
    emb = jnp.take(entity_embedding, indices, axis=0)  # [B, L, 2*dim]
    axis_emb, arg_emb = jnp.split(emb, 2, axis=-1)
    # AngleScale: x / embedding_range * pi
    axis_emb = axis_emb / EMBEDDING_RANGE * PI
    arg_emb = arg_emb / EMBEDDING_RANGE * PI
    # convert_to_axis: tanh(x) * pi
    axis = jnp.tanh(axis_emb) * PI
    # convert_to_arg: tanh(2x) * pi/2 + pi/2
    arg = jnp.tanh(2.0 * arg_emb) * PI / 2.0 + PI / 2.0
    return (axis, arg)

if __name__ == "__main__":
    import jax
    _d = setup_inputs()
    print(jax.jit(kernel)(*tuple(_d.values())))

</pallas_src>

<mosaic_0001>
#map = affine_map<(d0, d1) -> (0, 0)>
#map1 = affine_map<(d0, d1) -> (0, 0, 0)>
module attributes {stable_mosaic.version = 14 : i64} {
  func.func @_body(%arg0: i32, %arg1: i32, %arg2: memref<1000000x128xf32, #tpu.memory_space<hbm>>, %arg3: memref<4096x80xi32, #tpu.memory_space<hbm>>, %arg4: memref<16384x20x64xf32, #tpu.memory_space<hbm>>, %arg5: memref<16384x20x64xf32, #tpu.memory_space<hbm>>, %arg6: memref<128x80xi32, #tpu.memory_space<vmem>>, %arg7: memref<80x128xf32, #tpu.memory_space<vmem>>, %arg8: memref<80x128xf32, #tpu.memory_space<vmem>>, %arg9: memref<4x20x64xf32, #tpu.memory_space<vmem>>, %arg10: memref<4x20x64xf32, #tpu.memory_space<vmem>>, %arg11: memref<4x20x64xf32, #tpu.memory_space<vmem>>, %arg12: memref<4x20x64xf32, #tpu.memory_space<vmem>>, %arg13: memref<!tpu.dma_semaphore, #tpu.memory_space<semaphore_mem>>, %arg14: memref<!tpu.dma_semaphore, #tpu.memory_space<semaphore_mem>>, %arg15: memref<!tpu.dma_semaphore, #tpu.memory_space<semaphore_mem>>, %arg16: memref<!tpu.dma_semaphore, #tpu.memory_space<semaphore_mem>>) attributes {dimension_semantics = [#tpu.dimension_semantics<core_parallel>, #tpu.dimension_semantics<subcore_parallel>], iteration_bounds = array<i64: 2, 16>, scalar_prefetch = 0 : i64, scratch_operands = 11 : i64, tpu.core_type = #tpu.core_type<sc_vector_subcore>, window_params = [{transform_indices = #map}, {transform_indices = #map}, {transform_indices = #map1}, {transform_indices = #map1}]} {
    %mul3A = arith.constant 2 : i32
    %mul3A_0 = arith.muli %arg1, %mul3A : i32
    %add3A = arith.addi %mul3A_0, %arg0 : i32
    %mul3A_1 = arith.constant 128 : i32
    %mul3A_2 = arith.muli %add3A, %mul3A_1 : i32
    "tpu.region"() ({
      %run_scoped3A = tpu.sem_alloc : memref<!tpu.dma_semaphore, #tpu.memory_space<semaphore_mem>>
      %dma_start3A_45 = arith.constant 0 : i32
      %dma_start3A_46 = tpu.memref_slice %arg3[%mul3A_2, %dma_start3A_45] : memref<4096x80xi32, #tpu.memory_space<hbm>> -> memref<128x80xi32, #tpu.memory_space<hbm>>
      %dma_start3A_47 = arith.constant 0 : i32
      %dma_start3A_48 = tpu.memref_slice %arg3[%mul3A_2, %dma_start3A_47] : memref<4096x80xi32, #tpu.memory_space<hbm>> -> memref<128x80xi32, #tpu.memory_space<hbm>>
      tpu.enqueue_dma source(%dma_start3A_48 : memref<128x80xi32, #tpu.memory_space<hbm>>) target(%arg6 : memref<128x80xi32, #tpu.memory_space<vmem>>) target_semaphore(%run_scoped3A : memref<!tpu.dma_semaphore, #tpu.memory_space<semaphore_mem>>)
      %dma_wait3A_49 = arith.constant 0 : i32
      %dma_wait3A_50 = tpu.memref_slice %arg3[%mul3A_2, %dma_wait3A_49] : memref<4096x80xi32, #tpu.memory_space<hbm>> -> memref<128x80xi32, #tpu.memory_space<hbm>>
      %dma_wait3A_51 = arith.constant 0 : i32
      %dma_wait3A_52 = tpu.memref_slice %arg3[%mul3A_2, %dma_wait3A_51] : memref<4096x80xi32, #tpu.memory_space<hbm>> -> memref<128x80xi32, #tpu.memory_space<hbm>>
      tpu.wait_dma2 semaphore(%run_scoped3A : memref<!tpu.dma_semaphore, #tpu.memory_space<semaphore_mem>>) src(%dma_wait3A_52 : memref<128x80xi32, #tpu.memory_space<hbm>>) dst(%arg6 : memref<128x80xi32, #tpu.memory_space<vmem>>)
      tpu.yield
    }) : () -> ()
    %dma_start3A = arith.constant 0 : i32
    %dma_start3A_3 = arith.constant 0 : i32
    %dma_start3A_4 = tpu.memref_slice %arg6[%dma_start3A, %dma_start3A_3] : memref<128x80xi32, #tpu.memory_space<vmem>> -> memref<1x80xi32, #tpu.memory_space<vmem>>
    %dma_start3A_5 = tpu.memref_squeeze %dma_start3A_4 : memref<1x80xi32, #tpu.memory_space<vmem>> -> memref<80xi32, #tpu.memory_space<vmem>>
    %dma_start3A_6 = arith.constant 0 : i32
    %dma_start3A_7 = arith.constant 0 : i32
    %dma_start3A_8 = tpu.memref_slice %arg2[%dma_start3A_6, %dma_start3A_7] : memref<1000000x128xf32, #tpu.memory_space<hbm>> -> memref<1000000x128xf32, #tpu.memory_space<hbm>>
    tpu.enqueue_indirect_dma source(%dma_start3A_8 : memref<1000000x128xf32, #tpu.memory_space<hbm>>) target(%arg7 : memref<80x128xf32, #tpu.memory_space<vmem>>) offsets(%dma_start3A_5 : memref<80xi32, #tpu.memory_space<vmem>>) semaphore(%arg13 : memref<!tpu.dma_semaphore, #tpu.memory_space<semaphore_mem>>)
    %scan3A = arith.constant 0 : i32
    %scan3A_9 = arith.constant 0 : i32
    %scan3A_10 = arith.constant 64 : i32
    %scan3A_11 = arith.addi %scan3A_9, %scan3A_10 : i32
    %scan3A_12 = arith.constant 1 : i32
    scf.for %scan3A_45 = %scan3A_9 to %scan3A_11 step %scan3A_12  : i32 {
      %mul3A_46 = arith.constant 2 : i32
      %mul3A_47 = arith.muli %mul3A_46, %scan3A_45 : i32
      %add3A_48 = arith.constant 1 : i32
      %add3A_49 = arith.addi %mul3A_47, %add3A_48 : i32
      %dma_start3A_50 = arith.constant 0 : i32
      %dma_start3A_51 = tpu.memref_slice %arg6[%add3A_49, %dma_start3A_50] : memref<128x80xi32, #tpu.memory_space<vmem>> -> memref<1x80xi32, #tpu.memory_space<vmem>>
      %dma_start3A_52 = tpu.memref_squeeze %dma_start3A_51 : memref<1x80xi32, #tpu.memory_space<vmem>> -> memref<80xi32, #tpu.memory_space<vmem>>
      %dma_start3A_53 = arith.constant 0 : i32
      %dma_start3A_54 = arith.constant 0 : i32
      %dma_start3A_55 = tpu.memref_slice %arg2[%dma_start3A_53, %dma_start3A_54] : memref<1000000x128xf32, #tpu.memory_space<hbm>> -> memref<1000000x128xf32, #tpu.memory_space<hbm>>
      tpu.enqueue_indirect_dma source(%dma_start3A_55 : memref<1000000x128xf32, #tpu.memory_space<hbm>>) target(%arg8 : memref<80x128xf32, #tpu.memory_space<vmem>>) offsets(%dma_start3A_52 : memref<80xi32, #tpu.memory_space<vmem>>) semaphore(%arg14 : memref<!tpu.dma_semaphore, #tpu.memory_space<semaphore_mem>>)
      %dma_wait3A_56 = arith.constant 0 : i32
      %dma_wait3A_57 = arith.constant 0 : i32
      %dma_wait3A_58 = tpu.memref_slice %arg2[%dma_wait3A_56, %dma_wait3A_57] : memref<1000000x128xf32, #tpu.memory_space<hbm>> -> memref<80x128xf32, #tpu.memory_space<hbm>>
      %dma_wait3A_59 = arith.constant 0 : i32
      %dma_wait3A_60 = arith.constant 0 : i32
      %dma_wait3A_61 = tpu.memref_slice %arg2[%dma_wait3A_59, %dma_wait3A_60] : memref<1000000x128xf32, #tpu.memory_space<hbm>> -> memref<80x128xf32, #tpu.memory_space<hbm>>
      tpu.wait_dma2 semaphore(%arg13 : memref<!tpu.dma_semaphore, #tpu.memory_space<semaphore_mem>>) src(%dma_wait3A_61 : memref<80x128xf32, #tpu.memory_space<hbm>>) dst(%arg7 : memref<80x128xf32, #tpu.memory_space<vmem>>)
      %gt3A = arith.constant 0 : i32
      %gt3A_62 = arith.cmpi sgt, %scan3A_45, %gt3A : i32
      %convert_element_type3A = arith.extui %gt3A_62 : i1 to i32
      %cond3A = arith.constant 0 : i32
      %cond3A_63 = arith.cmpi ne, %convert_element_type3A, %cond3A : i32
      scf.if %cond3A_63 {
        %dma_wait3A_120 = arith.constant 0 : i32
        %dma_wait3A_121 = arith.constant 0 : i32
        %dma_wait3A_122 = arith.constant 0 : i32
        %dma_wait3A_123 = tpu.memref_slice %arg4[%dma_wait3A_120, %dma_wait3A_121, %dma_wait3A_122] : memref<16384x20x64xf32, #tpu.memory_space<hbm>> -> memref<4x20x64xf32, #tpu.memory_space<hbm>>
        %dma_wait3A_124 = arith.constant 0 : i32
        %dma_wait3A_125 = arith.constant 0 : i32
        %dma_wait3A_126 = arith.constant 0 : i32
        %dma_wait3A_127 = tpu.memref_slice %arg4[%dma_wait3A_124, %dma_wait3A_125, %dma_wait3A_126] : memref<16384x20x64xf32, #tpu.memory_space<hbm>> -> memref<4x20x64xf32, #tpu.memory_space<hbm>>
        tpu.wait_dma2 semaphore(%arg15 : memref<!tpu.dma_semaphore, #tpu.memory_space<semaphore_mem>>) src(%dma_wait3A_127 : memref<4x20x64xf32, #tpu.memory_space<hbm>>) dst(%arg9 : memref<4x20x64xf32, #tpu.memory_space<vmem>>)
        %dma_wait3A_128 = arith.constant 0 : i32
        %dma_wait3A_129 = arith.constant 0 : i32
        %dma_wait3A_130 = arith.constant 0 : i32
        %dma_wait3A_131 = tpu.memref_slice %arg5[%dma_wait3A_128, %dma_wait3A_129, %dma_wait3A_130] : memref<16384x20x64xf32, #tpu.memory_space<hbm>> -> memref<4x20x64xf32, #tpu.memory_space<hbm>>
        %dma_wait3A_132 = arith.constant 0 : i32
        %dma_wait3A_133 = arith.constant 0 : i32
        %dma_wait3A_134 = arith.constant 0 : i32
        %dma_wait3A_135 = tpu.memref_slice %arg5[%dma_wait3A_132, %dma_wait3A_133, %dma_wait3A_134] : memref<16384x20x64xf32, #tpu.memory_space<hbm>> -> memref<4x20x64xf32, #tpu.memory_space<hbm>>
        tpu.wait_dma2 semaphore(%arg15 : memref<!tpu.dma_semaphore, #tpu.memory_space<semaphore_mem>>) src(%dma_wait3A_135 : memref<4x20x64xf32, #tpu.memory_space<hbm>>) dst(%arg10 : memref<4x20x64xf32, #tpu.memory_space<vmem>>)
      } else {
      }
      %parallel_loop3A = arith.constant 0 : i32
      %parallel_loop3A_64 = arith.constant 80 : i32
      %parallel_loop3A_65 = arith.constant 1 : i32
      scf.for %parallel_loop3A_120 = %parallel_loop3A to %parallel_loop3A_64 step %parallel_loop3A_65  : i32 {
        %parallel_loop3A_121 = arith.constant 20 : i32
        %parallel_loop3A_122 = arith.divsi %parallel_loop3A_120, %parallel_loop3A_121 : i32
        %parallel_loop3A_123 = arith.constant 0 : i32
        %parallel_loop3A_124 = arith.cmpi sgt, %parallel_loop3A_120, %parallel_loop3A_123 : i32
        %parallel_loop3A_125 = arith.extui %parallel_loop3A_124 : i1 to i32
        %parallel_loop3A_126 = arith.constant 0 : i32
        %parallel_loop3A_127 = arith.cmpi slt, %parallel_loop3A_120, %parallel_loop3A_126 : i32
        %parallel_loop3A_128 = arith.extui %parallel_loop3A_127 : i1 to i32
        %parallel_loop3A_129 = arith.subi %parallel_loop3A_125, %parallel_loop3A_128 : i32
        %parallel_loop3A_130 = arith.constant 0 : i32
        %parallel_loop3A_131 = arith.cmpi sgt, %parallel_loop3A_121, %parallel_loop3A_130 : i32
        %parallel_loop3A_132 = arith.extui %parallel_loop3A_131 : i1 to i32
        %parallel_loop3A_133 = arith.constant 0 : i32
        %parallel_loop3A_134 = arith.cmpi slt, %parallel_loop3A_121, %parallel_loop3A_133 : i32
        %parallel_loop3A_135 = arith.extui %parallel_loop3A_134 : i1 to i32
        %parallel_loop3A_136 = arith.subi %parallel_loop3A_132, %parallel_loop3A_135 : i32
        %parallel_loop3A_137 = arith.cmpi ne, %parallel_loop3A_129, %parallel_loop3A_136 : i32
        %parallel_loop3A_138 = arith.remsi %parallel_loop3A_120, %parallel_loop3A_121 : i32
        %parallel_loop3A_139 = arith.constant 0 : i32
        %parallel_loop3A_140 = arith.cmpi ne, %parallel_loop3A_138, %parallel_loop3A_139 : i32
        %parallel_loop3A_141 = arith.andi %parallel_loop3A_137, %parallel_loop3A_140 : i1
        %parallel_loop3A_142 = arith.constant 1 : i32
        %parallel_loop3A_143 = arith.subi %parallel_loop3A_122, %parallel_loop3A_142 : i32
        %parallel_loop3A_144 = arith.select %parallel_loop3A_141, %parallel_loop3A_143, %parallel_loop3A_122 : i32
        %parallel_loop3A_145 = arith.constant 20 : i32
        %parallel_loop3A_146 = arith.muli %parallel_loop3A_144, %parallel_loop3A_145 : i32
        %parallel_loop3A_147 = arith.subi %parallel_loop3A_120, %parallel_loop3A_146 : i32
        %parallel_loop3A_148 = arith.index_cast %parallel_loop3A_120 : i32 to index
        %parallel_loop3A_149 = arith.constant 0 : index
        %parallel_loop3A_150 = tpu.vector_load %arg7[%parallel_loop3A_148, %parallel_loop3A_149] {strides = array<i32>} : memref<80x128xf32, #tpu.memory_space<vmem>>, vector<1x16xf32>,
        %parallel_loop3A_151 = vector.shape_cast %parallel_loop3A_150 : vector<1x16xf32> to vector<16xf32>
        %parallel_loop3A_152 = arith.constant 14.3615665 : f32
        %parallel_loop3A_153 = vector.broadcast %parallel_loop3A_152 : f32 to vector<16xf32>
        %parallel_loop3A_154 = arith.mulf %parallel_loop3A_151, %parallel_loop3A_153 : vector<16xf32>
        %parallel_loop3A_155 = math.tanh %parallel_loop3A_154 : vector<16xf32>
        %parallel_loop3A_156 = arith.constant 3.14159274 : f32
        %parallel_loop3A_157 = vector.broadcast %parallel_loop3A_156 : f32 to vector<16xf32>
        %parallel_loop3A_158 = arith.mulf %parallel_loop3A_157, %parallel_loop3A_155 : vector<16xf32>
        %parallel_loop3A_159 = arith.index_cast %parallel_loop3A_144 : i32 to index
        %parallel_loop3A_160 = arith.index_cast %parallel_loop3A_147 : i32 to index
        %parallel_loop3A_161 = arith.constant 0 : index
        %parallel_loop3A_162 = tpu.vector_load %arg9[%parallel_loop3A_159, %parallel_loop3A_160, %parallel_loop3A_161] {strides = array<i32>} : memref<4x20x64xf32, #tpu.memory_space<vmem>>, vector<1x1x16xf32>,
        %parallel_loop3A_163 = vector.shape_cast %parallel_loop3A_162 : vector<1x1x16xf32> to vector<16xf32>
        %parallel_loop3A_164 = vector.shape_cast %parallel_loop3A_158 : vector<16xf32> to vector<1x1x16xf32>
        tpu.vector_store %arg9[%parallel_loop3A_159, %parallel_loop3A_160, %parallel_loop3A_161], %parallel_loop3A_164 {strides = array<i32>} : memref<4x20x64xf32, #tpu.memory_space<vmem>>, vector<1x1x16xf32>,
        %parallel_loop3A_165 = arith.index_cast %parallel_loop3A_120 : i32 to index
        %parallel_loop3A_166 = arith.constant 16 : index
        %parallel_loop3A_167 = tpu.vector_load %arg7[%parallel_loop3A_165, %parallel_loop3A_166] {strides = array<i32>} : memref<80x128xf32, #tpu.memory_space<vmem>>, vector<1x16xf32>,
        %parallel_loop3A_168 = vector.shape_cast %parallel_loop3A_167 : vector<1x16xf32> to vector<16xf32>
        %parallel_loop3A_169 = arith.constant 14.3615665 : f32
        %parallel_loop3A_170 = vector.broadcast %parallel_loop3A_169 : f32 to vector<16xf32>
        %parallel_loop3A_171 = arith.mulf %parallel_loop3A_168, %parallel_loop3A_170 : vector<16xf32>
        %parallel_loop3A_172 = math.tanh %parallel_loop3A_171 : vector<16xf32>
        %parallel_loop3A_173 = arith.constant 3.14159274 : f32
        %parallel_loop3A_174 = vector.broadcast %parallel_loop3A_173 : f32 to vector<16xf32>
        %parallel_loop3A_175 = arith.mulf %parallel_loop3A_174, %parallel_loop3A_172 : vector<16xf32>
        %parallel_loop3A_176 = arith.index_cast %parallel_loop3A_144 : i32 to index
        %parallel_loop3A_177 = arith.index_cast %parallel_loop3A_147 : i32 to index
        %parallel_loop3A_178 = arith.constant 16 : index
        %parallel_loop3A_179 = tpu.vector_load %arg9[%parallel_loop3A_176, %parallel_loop3A_177, %parallel_loop3A_178] {strides = array<i32>} : memref<4x20x64xf32, #tpu.memory_space<vmem>>, vector<1x1x16xf32>,
        %parallel_loop3A_180 = vector.shape_cast %parallel_loop3A_179 : vector<1x1x16xf32> to vector<16xf32>
        %parallel_loop3A_181 = vector.shape_cast %parallel_loop3A_175 : vector<16xf32> to vector<1x1x16xf32>
        tpu.vector_store %arg9[%parallel_loop3A_176, %parallel_loop3A_177, %parallel_loop3A_178], %parallel_loop3A_181 {strides = array<i32>} : memref<4x20x64xf32, #tpu.memory_space<vmem>>, vector<1x1x16xf32>,
        %parallel_loop3A_182 = arith.index_cast %parallel_loop3A_120 : i32 to index
        %parallel_loop3A_183 = arith.constant 32 : index
        %parallel_loop3A_184 = tpu.vector_load %arg7[%parallel_loop3A_182, %parallel_loop3A_183] {strides = array<i32>} : memref<80x128xf32, #tpu.memory_space<vmem>>, vector<1x16xf32>,
        %parallel_loop3A_185 = vector.shape_cast %parallel_loop3A_184 : vector<1x16xf32> to vector<16xf32>
        %parallel_loop3A_186 = arith.constant 14.3615665 : f32
        %parallel_loop3A_187 = vector.broadcast %parallel_loop3A_186 : f32 to vector<16xf32>
        %parallel_loop3A_188 = arith.mulf %parallel_loop3A_185, %parallel_loop3A_187 : vector<16xf32>
        %parallel_loop3A_189 = math.tanh %parallel_loop3A_188 : vector<16xf32>
        %parallel_loop3A_190 = arith.constant 3.14159274 : f32
        %parallel_loop3A_191 = vector.broadcast %parallel_loop3A_190 : f32 to vector<16xf32>
        %parallel_loop3A_192 = arith.mulf %parallel_loop3A_191, %parallel_loop3A_189 : vector<16xf32>
        %parallel_loop3A_193 = arith.index_cast %parallel_loop3A_144 : i32 to index
        %parallel_loop3A_194 = arith.index_cast %parallel_loop3A_147 : i32 to index
        %parallel_loop3A_195 = arith.constant 32 : index
        %parallel_loop3A_196 = tpu.vector_load %arg9[%parallel_loop3A_193, %parallel_loop3A_194, %parallel_loop3A_195] {strides = array<i32>} : memref<4x20x64xf32, #tpu.memory_space<vmem>>, vector<1x1x16xf32>,
        %parallel_loop3A_197 = vector.shape_cast %parallel_loop3A_196 : vector<1x1x16xf32> to vector<16xf32>
        %parallel_loop3A_198 = vector.shape_cast %parallel_loop3A_192 : vector<16xf32> to vector<1x1x16xf32>
        tpu.vector_store %arg9[%parallel_loop3A_193, %parallel_loop3A_194, %parallel_loop3A_195], %parallel_loop3A_198 {strides = array<i32>} : memref<4x20x64xf32, #tpu.memory_space<vmem>>, vector<1x1x16xf32>,
        %parallel_loop3A_199 = arith.index_cast %parallel_loop3A_120 : i32 to index
        %parallel_loop3A_200 = arith.constant 48 : index
        %parallel_loop3A_201 = tpu.vector_load %arg7[%parallel_loop3A_199, %parallel_loop3A_200] {strides = array<i32>} : memref<80x128xf32, #tpu.memory_space<vmem>>, vector<1x16xf32>,
        %parallel_loop3A_202 = vector.shape_cast %parallel_loop3A_201 : vector<1x16xf32> to vector<16xf32>
        %parallel_loop3A_203 = arith.constant 14.3615665 : f32
        %parallel_loop3A_204 = vector.broadcast %parallel_loop3A_203 : f32 to vector<16xf32>
        %parallel_loop3A_205 = arith.mulf %parallel_loop3A_202, %parallel_loop3A_204 : vector<16xf32>
        %parallel_loop3A_206 = math.tanh %parallel_loop3A_205 : vector<16xf32>
        %parallel_loop3A_207 = arith.constant 3.14159274 : f32
        %parallel_loop3A_208 = vector.broadcast %parallel_loop3A_207 : f32 to vector<16xf32>
        %parallel_loop3A_209 = arith.mulf %parallel_loop3A_208, %parallel_loop3A_206 : vector<16xf32>
        %parallel_loop3A_210 = arith.index_cast %parallel_loop3A_144 : i32 to index
        %parallel_loop3A_211 = arith.index_cast %parallel_loop3A_147 : i32 to index
        %parallel_loop3A_212 = arith.constant 48 : index
        %parallel_loop3A_213 = tpu.vector_load %arg9[%parallel_loop3A_210, %parallel_loop3A_211, %parallel_loop3A_212] {strides = array<i32>} : memref<4x20x64xf32, #tpu.memory_space<vmem>>, vector<1x1x16xf32>,
        %parallel_loop3A_214 = vector.shape_cast %parallel_loop3A_213 : vector<1x1x16xf32> to vector<16xf32>
        %parallel_loop3A_215 = vector.shape_cast %parallel_loop3A_209 : vector<16xf32> to vector<1x1x16xf32>
        tpu.vector_store %arg9[%parallel_loop3A_210, %parallel_loop3A_211, %parallel_loop3A_212], %parallel_loop3A_215 {strides = array<i32>} : memref<4x20x64xf32, #tpu.memory_space<vmem>>, vector<1x1x16xf32>,
        %parallel_loop3A_216 = arith.index_cast %parallel_loop3A_120 : i32 to index
        %parallel_loop3A_217 = arith.constant 64 : index
        %parallel_loop3A_218 = tpu.vector_load %arg7[%parallel_loop3A_216, %parallel_loop3A_217] {strides = array<i32>} : memref<80x128xf32, #tpu.memory_space<vmem>>, vector<1x16xf32>,
        %parallel_loop3A_219 = vector.shape_cast %parallel_loop3A_218 : vector<1x16xf32> to vector<16xf32>
        %parallel_loop3A_220 = arith.constant 28.7231331 : f32
        %parallel_loop3A_221 = vector.broadcast %parallel_loop3A_220 : f32 to vector<16xf32>
        %parallel_loop3A_222 = arith.mulf %parallel_loop3A_219, %parallel_loop3A_221 : vector<16xf32>
        %parallel_loop3A_223 = math.tanh %parallel_loop3A_222 : vector<16xf32>
        %parallel_loop3A_224 = arith.constant 1.57079637 : f32
        %parallel_loop3A_225 = vector.broadcast %parallel_loop3A_224 : f32 to vector<16xf32>
        %parallel_loop3A_226 = arith.mulf %parallel_loop3A_225, %parallel_loop3A_223 : vector<16xf32>
        %parallel_loop3A_227 = arith.constant 1.57079637 : f32
        %parallel_loop3A_228 = vector.broadcast %parallel_loop3A_227 : f32 to vector<16xf32>
        %parallel_loop3A_229 = arith.addf %parallel_loop3A_226, %parallel_loop3A_228 : vector<16xf32>
        %parallel_loop3A_230 = arith.index_cast %parallel_loop3A_144 : i32 to index
        %parallel_loop3A_231 = arith.index_cast %parallel_loop3A_147 : i32 to index
        %parallel_loop3A_232 = arith.constant 0 : index
        %parallel_loop3A_233 = tpu.vector_load %arg10[%parallel_loop3A_230, %parallel_loop3A_231, %parallel_loop3A_232] {strides = array<i32>} : memref<4x20x64xf32, #tpu.memory_space<vmem>>, vector<1x1x16xf32>,
        %parallel_loop3A_234 = vector.shape_cast %parallel_loop3A_233 : vector<1x1x16xf32> to vector<16xf32>
        %parallel_loop3A_235 = vector.shape_cast %parallel_loop3A_229 : vector<16xf32> to vector<1x1x16xf32>
        tpu.vector_store %arg10[%parallel_loop3A_230, %parallel_loop3A_231, %parallel_loop3A_232], %parallel_loop3A_235 {strides = array<i32>} : memref<4x20x64xf32, #tpu.memory_space<vmem>>, vector<1x1x16xf32>,
        %parallel_loop3A_236 = arith.index_cast %parallel_loop3A_120 : i32 to index
        %parallel_loop3A_237 = arith.constant 80 : index
        %parallel_loop3A_238 = tpu.vector_load %arg7[%parallel_loop3A_236, %parallel_loop3A_237] {strides = array<i32>} : memref<80x128xf32, #tpu.memory_space<vmem>>, vector<1x16xf32>,
        %parallel_loop3A_239 = vector.shape_cast %parallel_loop3A_238 : vector<1x16xf32> to vector<16xf32>
        %parallel_loop3A_240 = arith.constant 28.7231331 : f32
        %parallel_loop3A_241 = vector.broadcast %parallel_loop3A_240 : f32 to vector<16xf32>
        %parallel_loop3A_242 = arith.mulf %parallel_loop3A_239, %parallel_loop3A_241 : vector<16xf32>
        %parallel_loop3A_243 = math.tanh %parallel_loop3A_242 : vector<16xf32>
        %parallel_loop3A_244 = arith.constant 1.57079637 : f32
        %parallel_loop3A_245 = vector.broadcast %parallel_loop3A_244 : f32 to vector<16xf32>
        %parallel_loop3A_246 = arith.mulf %parallel_loop3A_245, %parallel_loop3A_243 : vector<16xf32>
        %parallel_loop3A_247 = arith.constant 1.57079637 : f32
        %parallel_loop3A_248 = vector.broadcast %parallel_loop3A_247 : f32 to vector<16xf32>
        %parallel_loop3A_249 = arith.addf %parallel_loop3A_246, %parallel_loop3A_248 : vector<16xf32>
        %parallel_loop3A_250 = arith.index_cast %parallel_loop3A_144 : i32 to index
        %parallel_loop3A_251 = arith.index_cast %parallel_loop3A_147 : i32 to index
        %parallel_loop3A_252 = arith.constant 16 : index
        %parallel_loop3A_253 = tpu.vector_load %arg10[%parallel_loop3A_250, %parallel_loop3A_251, %parallel_loop3A_252] {strides = array<i32>} : memref<4x20x64xf32, #tpu.memory_space<vmem>>, vector<1x1x16xf32>,
        %parallel_loop3A_254 = vector.shape_cast %parallel_loop3A_253 : vector<1x1x16xf32> to vector<16xf32>
        %parallel_loop3A_255 = vector.shape_cast %parallel_loop3A_249 : vector<16xf32> to vector<1x1x16xf32>
        tpu.vector_store %arg10[%parallel_loop3A_250, %parallel_loop3A_251, %parallel_loop3A_252], %parallel_loop3A_255 {strides = array<i32>} : memref<4x20x64xf32, #tpu.memory_space<vmem>>, vector<1x1x16xf32>,
        %parallel_loop3A_256 = arith.index_cast %parallel_loop3A_120 : i32 to index
        %parallel_loop3A_257 = arith.constant 96 : index
        %parallel_loop3A_258 = tpu.vector_load %arg7[%parallel_loop3A_256, %parallel_loop3A_257] {strides = array<i32>} : memref<80x128xf32, #tpu.memory_space<vmem>>, vector<1x16xf32>,
        %parallel_loop3A_259 = vector.shape_cast %parallel_loop3A_258 : vector<1x16xf32> to vector<16xf32>
        %parallel_loop3A_260 = arith.constant 28.7231331 : f32
        %parallel_loop3A_261 = vector.broadcast %parallel_loop3A_260 : f32 to vector<16xf32>
        %parallel_loop3A_262 = arith.mulf %parallel_loop3A_259, %parallel_loop3A_261 : vector<16xf32>
        %parallel_loop3A_263 = math.tanh %parallel_loop3A_262 : vector<16xf32>
        %parallel_loop3A_264 = arith.constant 1.57079637 : f32
        %parallel_loop3A_265 = vector.broadcast %parallel_loop3A_264 : f32 to vector<16xf32>
        %parallel_loop3A_266 = arith.mulf %parallel_loop3A_265, %parallel_loop3A_263 : vector<16xf32>
        %parallel_loop3A_267 = arith.constant 1.57079637 : f32
        %parallel_loop3A_268 = vector.broadcast %parallel_loop3A_267 : f32 to vector<16xf32>
        %parallel_loop3A_269 = arith.addf %parallel_loop3A_266, %parallel_loop3A_268 : vector<16xf32>
        %parallel_loop3A_270 = arith.index_cast %parallel_loop3A_144 : i32 to index
        %parallel_loop3A_271 = arith.index_cast %parallel_loop3A_147 : i32 to index
        %parallel_loop3A_272 = arith.constant 32 : index
        %parallel_loop3A_273 = tpu.vector_load %arg10[%parallel_loop3A_270, %parallel_loop3A_271, %parallel_loop3A_272] {strides = array<i32>} : memref<4x20x64xf32, #tpu.memory_space<vmem>>, vector<1x1x16xf32>,
        %parallel_loop3A_274 = vector.shape_cast %parallel_loop3A_273 : vector<1x1x16xf32> to vector<16xf32>
        %parallel_loop3A_275 = vector.shape_cast %parallel_loop3A_269 : vector<16xf32> to vector<1x1x16xf32>
        tpu.vector_store %arg10[%parallel_loop3A_270, %parallel_loop3A_271, %parallel_loop3A_272], %parallel_loop3A_275 {strides = array<i32>} : memref<4x20x64xf32, #tpu.memory_space<vmem>>, vector<1x1x16xf32>,
        %parallel_loop3A_276 = arith.index_cast %parallel_loop3A_120 : i32 to index
        %parallel_loop3A_277 = arith.constant 112 : index
        %parallel_loop3A_278 = tpu.vector_load %arg7[%parallel_loop3A_276, %parallel_loop3A_277] {strides = array<i32>} : memref<80x128xf32, #tpu.memory_space<vmem>>, vector<1x16xf32>,
        %parallel_loop3A_279 = vector.shape_cast %parallel_loop3A_278 : vector<1x16xf32> to vector<16xf32>
        %parallel_loop3A_280 = arith.constant 28.7231331 : f32
        %parallel_loop3A_281 = vector.broadcast %parallel_loop3A_280 : f32 to vector<16xf32>
        %parallel_loop3A_282 = arith.mulf %parallel_loop3A_279, %parallel_loop3A_281 : vector<16xf32>
        %parallel_loop3A_283 = math.tanh %parallel_loop3A_282 : vector<16xf32>
        %parallel_loop3A_284 = arith.constant 1.57079637 : f32
        %parallel_loop3A_285 = vector.broadcast %parallel_loop3A_284 : f32 to vector<16xf32>
        %parallel_loop3A_286 = arith.mulf %parallel_loop3A_285, %parallel_loop3A_283 : vector<16xf32>
        %parallel_loop3A_287 = arith.constant 1.57079637 : f32
        %parallel_loop3A_288 = vector.broadcast %parallel_loop3A_287 : f32 to vector<16xf32>
        %parallel_loop3A_289 = arith.addf %parallel_loop3A_286, %parallel_loop3A_288 : vector<16xf32>
        %parallel_loop3A_290 = arith.index_cast %parallel_loop3A_144 : i32 to index
        %parallel_loop3A_291 = arith.index_cast %parallel_loop3A_147 : i32 to index
        %parallel_loop3A_292 = arith.constant 48 : index
        %parallel_loop3A_293 = tpu.vector_load %arg10[%parallel_loop3A_290, %parallel_loop3A_291, %parallel_loop3A_292] {strides = array<i32>} : memref<4x20x64xf32, #tpu.memory_space<vmem>>, vector<1x1x16xf32>,
        %parallel_loop3A_294 = vector.shape_cast %parallel_loop3A_293 : vector<1x1x16xf32> to vector<16xf32>
        %parallel_loop3A_295 = vector.shape_cast %parallel_loop3A_289 : vector<16xf32> to vector<1x1x16xf32>
        tpu.vector_store %arg10[%parallel_loop3A_290, %parallel_loop3A_291, %parallel_loop3A_292], %parallel_loop3A_295 {strides = array<i32>} : memref<4x20x64xf32, #tpu.memory_space<vmem>>, vector<1x1x16xf32>,
      } {sc.loop_unroll_factor = 4 : i64, sc.parallel_access}
      %mul3A_66 = arith.constant 512 : i32
      %mul3A_67 = arith.muli %add3A, %mul3A_66 : i32
      %mul3A_68 = arith.constant 4 : i32
      %mul3A_69 = arith.muli %mul3A_47, %mul3A_68 : i32
      %add3A_70 = arith.addi %mul3A_67, %mul3A_69 : i32
      %dma_start3A_71 = arith.constant 0 : i32
      %dma_start3A_72 = arith.constant 0 : i32
      %dma_start3A_73 = tpu.memref_slice %arg4[%add3A_70, %dma_start3A_71, %dma_start3A_72] : memref<16384x20x64xf32, #tpu.memory_space<hbm>> -> memref<4x20x64xf32, #tpu.memory_space<hbm>>
      %dma_start3A_74 = arith.constant 0 : i32
      %dma_start3A_75 = arith.constant 0 : i32
      %dma_start3A_76 = tpu.memref_slice %arg4[%add3A_70, %dma_start3A_74, %dma_start3A_75] : memref<16384x20x64xf32, #tpu.memory_space<hbm>> -> memref<4x20x64xf32, #tpu.memory_space<hbm>>
      tpu.enqueue_dma source(%arg9 : memref<4x20x64xf32, #tpu.memory_space<vmem>>) target(%dma_start3A_76 : memref<4x20x64xf32, #tpu.memory_space<hbm>>) target_semaphore(%arg15 : memref<!tpu.dma_semaphore, #tpu.memory_space<semaphore_mem>>)
      %dma_start3A_77 = arith.constant 0 : i32
      %dma_start3A_78 = arith.constant 0 : i32
      %dma_start3A_79 = tpu.memref_slice %arg5[%add3A_70, %dma_start3A_77, %dma_start3A_78] : memref<16384x20x64xf32, #tpu.memory_space<hbm>> -> memref<4x20x64xf32, #tpu.memory_space<hbm>>
      %dma_start3A_80 = arith.constant 0 : i32
      %dma_start3A_81 = arith.constant 0 : i32
      %dma_start3A_82 = tpu.memref_slice %arg5[%add3A_70, %dma_start3A_80, %dma_start3A_81] : memref<16384x20x64xf32, #tpu.memory_space<hbm>> -> memref<4x20x64xf32, #tpu.memory_space<hbm>>
      tpu.enqueue_dma source(%arg10 : memref<4x20x64xf32, #tpu.memory_space<vmem>>) target(%dma_start3A_82 : memref<4x20x64xf32, #tpu.memory_space<hbm>>) target_semaphore(%arg15 : memref<!tpu.dma_semaphore, #tpu.memory_space<semaphore_mem>>)
      %add3A_83 = arith.constant 1 : i32
      %add3A_84 = arith.addi %scan3A_45, %add3A_83 : i32
      %lt3A = arith.constant 64 : i32
      %lt3A_85 = arith.cmpi slt, %add3A_84, %lt3A : i32
      %convert_element_type3A_86 = arith.extui %lt3A_85 : i1 to i32
      %cond3A_87 = arith.constant 0 : i32
      %cond3A_88 = arith.cmpi ne, %convert_element_type3A_86, %cond3A_87 : i32
      scf.if %cond3A_88 {
        %add3A_120 = arith.constant 2 : i32
        %add3A_121 = arith.addi %mul3A_47, %add3A_120 : i32
        %dma_start3A_122 = arith.constant 0 : i32
        %dma_start3A_123 = tpu.memref_slice %arg6[%add3A_121, %dma_start3A_122] : memref<128x80xi32, #tpu.memory_space<vmem>> -> memref<1x80xi32, #tpu.memory_space<vmem>>
        %dma_start3A_124 = tpu.memref_squeeze %dma_start3A_123 : memref<1x80xi32, #tpu.memory_space<vmem>> -> memref<80xi32, #tpu.memory_space<vmem>>
        %dma_start3A_125 = arith.constant 0 : i32
        %dma_start3A_126 = arith.constant 0 : i32
        %dma_start3A_127 = tpu.memref_slice %arg2[%dma_start3A_125, %dma_start3A_126] : memref<1000000x128xf32, #tpu.memory_space<hbm>> -> memref<1000000x128xf32, #tpu.memory_space<hbm>>
        tpu.enqueue_indirect_dma source(%dma_start3A_127 : memref<1000000x128xf32, #tpu.memory_space<hbm>>) target(%arg7 : memref<80x128xf32, #tpu.memory_space<vmem>>) offsets(%dma_start3A_124 : memref<80xi32, #tpu.memory_space<vmem>>) semaphore(%arg13 : memref<!tpu.dma_semaphore, #tpu.memory_space<semaphore_mem>>)
      } else {
      }
      %dma_wait3A_89 = arith.constant 0 : i32
      %dma_wait3A_90 = arith.constant 0 : i32
      %dma_wait3A_91 = tpu.memref_slice %arg2[%dma_wait3A_89, %dma_wait3A_90] : memref<1000000x128xf32, #tpu.memory_space<hbm>> -> memref<80x128xf32, #tpu.memory_space<hbm>>
      %dma_wait3A_92 = arith.constant 0 : i32
      %dma_wait3A_93 = arith.constant 0 : i32
      %dma_wait3A_94 = tpu.memref_slice %arg2[%dma_wait3A_92, %dma_wait3A_93] : memref<1000000x128xf32, #tpu.memory_space<hbm>> -> memref<80x128xf32, #tpu.memory_space<hbm>>
      tpu.wait_dma2 semaphore(%arg14 : memref<!tpu.dma_semaphore, #tpu.memory_space<semaphore_mem>>) src(%dma_wait3A_94 : memref<80x128xf32, #tpu.memory_space<hbm>>) dst(%arg8 : memref<80x128xf32, #tpu.memory_space<vmem>>)
      %gt3A_95 = arith.constant 0 : i32
      %gt3A_96 = arith.cmpi sgt, %scan3A_45, %gt3A_95 : i32
      %convert_element_type3A_97 = arith.extui %gt3A_96 : i1 to i32
      %cond3A_98 = arith.constant 0 : i32
      %cond3A_99 = arith.cmpi ne, %convert_element_type3A_97, %cond3A_98 : i32
      scf.if %cond3A_99 {
        %dma_wait3A_120 = arith.constant 0 : i32
        %dma_wait3A_121 = arith.constant 0 : i32
        %dma_wait3A_122 = arith.constant 0 : i32
        %dma_wait3A_123 = tpu.memref_slice %arg4[%dma_wait3A_120, %dma_wait3A_121, %dma_wait3A_122] : memref<16384x20x64xf32, #tpu.memory_space<hbm>> -> memref<4x20x64xf32, #tpu.memory_space<hbm>>
        %dma_wait3A_124 = arith.constant 0 : i32
        %dma_wait3A_125 = arith.constant 0 : i32
        %dma_wait3A_126 = arith.constant 0 : i32
        %dma_wait3A_127 = tpu.memref_slice %arg4[%dma_wait3A_124, %dma_wait3A_125, %dma_wait3A_126] : memref<16384x20x64xf32, #tpu.memory_space<hbm>> -> memref<4x20x64xf32, #tpu.memory_space<hbm>>
        tpu.wait_dma2 semaphore(%arg16 : memref<!tpu.dma_semaphore, #tpu.memory_space<semaphore_mem>>) src(%dma_wait3A_127 : memref<4x20x64xf32, #tpu.memory_space<hbm>>) dst(%arg11 : memref<4x20x64xf32, #tpu.memory_space<vmem>>)
        %dma_wait3A_128 = arith.constant 0 : i32
        %dma_wait3A_129 = arith.constant 0 : i32
        %dma_wait3A_130 = arith.constant 0 : i32
        %dma_wait3A_131 = tpu.memref_slice %arg5[%dma_wait3A_128, %dma_wait3A_129, %dma_wait3A_130] : memref<16384x20x64xf32, #tpu.memory_space<hbm>> -> memref<4x20x64xf32, #tpu.memory_space<hbm>>
        %dma_wait3A_132 = arith.constant 0 : i32
        %dma_wait3A_133 = arith.constant 0 : i32
        %dma_wait3A_134 = arith.constant 0 : i32
        %dma_wait3A_135 = tpu.memref_slice %arg5[%dma_wait3A_132, %dma_wait3A_133, %dma_wait3A_134] : memref<16384x20x64xf32, #tpu.memory_space<hbm>> -> memref<4x20x64xf32, #tpu.memory_space<hbm>>
        tpu.wait_dma2 semaphore(%arg16 : memref<!tpu.dma_semaphore, #tpu.memory_space<semaphore_mem>>) src(%dma_wait3A_135 : memref<4x20x64xf32, #tpu.memory_space<hbm>>) dst(%arg12 : memref<4x20x64xf32, #tpu.memory_space<vmem>>)
      } else {
      }
      %parallel_loop3A_100 = arith.constant 0 : i32
      %parallel_loop3A_101 = arith.constant 80 : i32
      %parallel_loop3A_102 = arith.constant 1 : i32
      scf.for %parallel_loop3A_120 = %parallel_loop3A_100 to %parallel_loop3A_101 step %parallel_loop3A_102  : i32 {
        %parallel_loop3A_121 = arith.constant 20 : i32
        %parallel_loop3A_122 = arith.divsi %parallel_loop3A_120, %parallel_loop3A_121 : i32
        %parallel_loop3A_123 = arith.constant 0 : i32
        %parallel_loop3A_124 = arith.cmpi sgt, %parallel_loop3A_120, %parallel_loop3A_123 : i32
        %parallel_loop3A_125 = arith.extui %parallel_loop3A_124 : i1 to i32
        %parallel_loop3A_126 = arith.constant 0 : i32
        %parallel_loop3A_127 = arith.cmpi slt, %parallel_loop3A_120, %parallel_loop3A_126 : i32
        %parallel_loop3A_128 = arith.extui %parallel_loop3A_127 : i1 to i32
        %parallel_loop3A_129 = arith.subi %parallel_loop3A_125, %parallel_loop3A_128 : i32
        %parallel_loop3A_130 = arith.constant 0 : i32
        %parallel_loop3A_131 = arith.cmpi sgt, %parallel_loop3A_121, %parallel_loop3A_130 : i32
        %parallel_loop3A_132 = arith.extui %parallel_loop3A_131 : i1 to i32
        %parallel_loop3A_133 = arith.constant 0 : i32
        %parallel_loop3A_134 = arith.cmpi slt, %parallel_loop3A_121, %parallel_loop3A_133 : i32
        %parallel_loop3A_135 = arith.extui %parallel_loop3A_134 : i1 to i32
        %parallel_loop3A_136 = arith.subi %parallel_loop3A_132, %parallel_loop3A_135 : i32
        %parallel_loop3A_137 = arith.cmpi ne, %parallel_loop3A_129, %parallel_loop3A_136 : i32
        %parallel_loop3A_138 = arith.remsi %parallel_loop3A_120, %parallel_loop3A_121 : i32
        %parallel_loop3A_139 = arith.constant 0 : i32
        %parallel_loop3A_140 = arith.cmpi ne, %parallel_loop3A_138, %parallel_loop3A_139 : i32
        %parallel_loop3A_141 = arith.andi %parallel_loop3A_137, %parallel_loop3A_140 : i1
        %parallel_loop3A_142 = arith.constant 1 : i32
        %parallel_loop3A_143 = arith.subi %parallel_loop3A_122, %parallel_loop3A_142 : i32
        %parallel_loop3A_144 = arith.select %parallel_loop3A_141, %parallel_loop3A_143, %parallel_loop3A_122 : i32
        %parallel_loop3A_145 = arith.constant 20 : i32
        %parallel_loop3A_146 = arith.muli %parallel_loop3A_144, %parallel_loop3A_145 : i32
        %parallel_loop3A_147 = arith.subi %parallel_loop3A_120, %parallel_loop3A_146 : i32
        %parallel_loop3A_148 = arith.index_cast %parallel_loop3A_120 : i32 to index
        %parallel_loop3A_149 = arith.constant 0 : index
        %parallel_loop3A_150 = tpu.vector_load %arg8[%parallel_loop3A_148, %parallel_loop3A_149] {strides = array<i32>} : memref<80x128xf32, #tpu.memory_space<vmem>>, vector<1x16xf32>,
        %parallel_loop3A_151 = vector.shape_cast %parallel_loop3A_150 : vector<1x16xf32> to vector<16xf32>
        %parallel_loop3A_152 = arith.constant 14.3615665 : f32
        %parallel_loop3A_153 = vector.broadcast %parallel_loop3A_152 : f32 to vector<16xf32>
        %parallel_loop3A_154 = arith.mulf %parallel_loop3A_151, %parallel_loop3A_153 : vector<16xf32>
        %parallel_loop3A_155 = math.tanh %parallel_loop3A_154 : vector<16xf32>
        %parallel_loop3A_156 = arith.constant 3.14159274 : f32
        %parallel_loop3A_157 = vector.broadcast %parallel_loop3A_156 : f32 to vector<16xf32>
        %parallel_loop3A_158 = arith.mulf %parallel_loop3A_157, %parallel_loop3A_155 : vector<16xf32>
        %parallel_loop3A_159 = arith.index_cast %parallel_loop3A_144 : i32 to index
        %parallel_loop3A_160 = arith.index_cast %parallel_loop3A_147 : i32 to index
        %parallel_loop3A_161 = arith.constant 0 : index
        %parallel_loop3A_162 = tpu.vector_load %arg11[%parallel_loop3A_159, %parallel_loop3A_160, %parallel_loop3A_161] {strides = array<i32>} : memref<4x20x64xf32, #tpu.memory_space<vmem>>, vector<1x1x16xf32>,
        %parallel_loop3A_163 = vector.shape_cast %parallel_loop3A_162 : vector<1x1x16xf32> to vector<16xf32>
        %parallel_loop3A_164 = vector.shape_cast %parallel_loop3A_158 : vector<16xf32> to vector<1x1x16xf32>
        tpu.vector_store %arg11[%parallel_loop3A_159, %parallel_loop3A_160, %parallel_loop3A_161], %parallel_loop3A_164 {strides = array<i32>} : memref<4x20x64xf32, #tpu.memory_space<vmem>>, vector<1x1x16xf32>,
        %parallel_loop3A_165 = arith.index_cast %parallel_loop3A_120 : i32 to index
        %parallel_loop3A_166 = arith.constant 16 : index
        %parallel_loop3A_167 = tpu.vector_load %arg8[%parallel_loop3A_165, %parallel_loop3A_166] {strides = array<i32>} : memref<80x128xf32, #tpu.memory_space<vmem>>, vector<1x16xf32>,
        %parallel_loop3A_168 = vector.shape_cast %parallel_loop3A_167 : vector<1x16xf32> to vector<16xf32>
        %parallel_loop3A_169 = arith.constant 14.3615665 : f32
        %parallel_loop3A_170 = vector.broadcast %parallel_loop3A_169 : f32 to vector<16xf32>
        %parallel_loop3A_171 = arith.mulf %parallel_loop3A_168, %parallel_loop3A_170 : vector<16xf32>
        %parallel_loop3A_172 = math.tanh %parallel_loop3A_171 : vector<16xf32>
        %parallel_loop3A_173 = arith.constant 3.14159274 : f32
        %parallel_loop3A_174 = vector.broadcast %parallel_loop3A_173 : f32 to vector<16xf32>
        %parallel_loop3A_175 = arith.mulf %parallel_loop3A_174, %parallel_loop3A_172 : vector<16xf32>
        %parallel_loop3A_176 = arith.index_cast %parallel_loop3A_144 : i32 to index
        %parallel_loop3A_177 = arith.index_cast %parallel_loop3A_147 : i32 to index
        %parallel_loop3A_178 = arith.constant 16 : index
        %parallel_loop3A_179 = tpu.vector_load %arg11[%parallel_loop3A_176, %parallel_loop3A_177, %parallel_loop3A_178] {strides = array<i32>} : memref<4x20x64xf32, #tpu.memory_space<vmem>>, vector<1x1x16xf32>,
        %parallel_loop3A_180 = vector.shape_cast %parallel_loop3A_179 : vector<1x1x16xf32> to vector<16xf32>
        %parallel_loop3A_181 = vector.shape_cast %parallel_loop3A_175 : vector<16xf32> to vector<1x1x16xf32>
        tpu.vector_store %arg11[%parallel_loop3A_176, %parallel_loop3A_177, %parallel_loop3A_178], %parallel_loop3A_181 {strides = array<i32>} : memref<4x20x64xf32, #tpu.memory_space<vmem>>, vector<1x1x16xf32>,
        %parallel_loop3A_182 = arith.index_cast %parallel_loop3A_120 : i32 to index
        %parallel_loop3A_183 = arith.constant 32 : index
        %parallel_loop3A_184 = tpu.vector_load %arg8[%parallel_loop3A_182, %parallel_loop3A_183] {strides = array<i32>} : memref<80x128xf32, #tpu.memory_space<vmem>>, vector<1x16xf32>,
        %parallel_loop3A_185 = vector.shape_cast %parallel_loop3A_184 : vector<1x16xf32> to vector<16xf32>
        %parallel_loop3A_186 = arith.constant 14.3615665 : f32
        %parallel_loop3A_187 = vector.broadcast %parallel_loop3A_186 : f32 to vector<16xf32>
        %parallel_loop3A_188 = arith.mulf %parallel_loop3A_185, %parallel_loop3A_187 : vector<16xf32>
        %parallel_loop3A_189 = math.tanh %parallel_loop3A_188 : vector<16xf32>
        %parallel_loop3A_190 = arith.constant 3.14159274 : f32
        %parallel_loop3A_191 = vector.broadcast %parallel_loop3A_190 : f32 to vector<16xf32>
        %parallel_loop3A_192 = arith.mulf %parallel_loop3A_191, %parallel_loop3A_189 : vector<16xf32>
        %parallel_loop3A_193 = arith.index_cast %parallel_loop3A_144 : i32 to index
        %parallel_loop3A_194 = arith.index_cast %parallel_loop3A_147 : i32 to index
        %parallel_loop3A_195 = arith.constant 32 : index
        %parallel_loop3A_196 = tpu.vector_load %arg11[%parallel_loop3A_193, %parallel_loop3A_194, %parallel_loop3A_195] {strides = array<i32>} : memref<4x20x64xf32, #tpu.memory_space<vmem>>, vector<1x1x16xf32>,
        %parallel_loop3A_197 = vector.shape_cast %parallel_loop3A_196 : vector<1x1x16xf32> to vector<16xf32>
        %parallel_loop3A_198 = vector.shape_cast %parallel_loop3A_192 : vector<16xf32> to vector<1x1x16xf32>
        tpu.vector_store %arg11[%parallel_loop3A_193, %parallel_loop3A_194, %parallel_loop3A_195], %parallel_loop3A_198 {strides = array<i32>} : memref<4x20x64xf32, #tpu.memory_space<vmem>>, vector<1x1x16xf32>,
        %parallel_loop3A_199 = arith.index_cast %parallel_loop3A_120 : i32 to index
        %parallel_loop3A_200 = arith.constant 48 : index
        %parallel_loop3A_201 = tpu.vector_load %arg8[%parallel_loop3A_199, %parallel_loop3A_200] {strides = array<i32>} : memref<80x128xf32, #tpu.memory_space<vmem>>, vector<1x16xf32>,
        %parallel_loop3A_202 = vector.shape_cast %parallel_loop3A_201 : vector<1x16xf32> to vector<16xf32>
        %parallel_loop3A_203 = arith.constant 14.3615665 : f32
        %parallel_loop3A_204 = vector.broadcast %parallel_loop3A_203 : f32 to vector<16xf32>
        %parallel_loop3A_205 = arith.mulf %parallel_loop3A_202, %parallel_loop3A_204 : vector<16xf32>
        %parallel_loop3A_206 = math.tanh %parallel_loop3A_205 : vector<16xf32>
        %parallel_loop3A_207 = arith.constant 3.14159274 : f32
        %parallel_loop3A_208 = vector.broadcast %parallel_loop3A_207 : f32 to vector<16xf32>
        %parallel_loop3A_209 = arith.mulf %parallel_loop3A_208, %parallel_loop3A_206 : vector<16xf32>
        %parallel_loop3A_210 = arith.index_cast %parallel_loop3A_144 : i32 to index
        %parallel_loop3A_211 = arith.index_cast %parallel_loop3A_147 : i32 to index
        %parallel_loop3A_212 = arith.constant 48 : index
        %parallel_loop3A_213 = tpu.vector_load %arg11[%parallel_loop3A_210, %parallel_loop3A_211, %parallel_loop3A_212] {strides = array<i32>} : memref<4x20x64xf32, #tpu.memory_space<vmem>>, vector<1x1x16xf32>,
        %parallel_loop3A_214 = vector.shape_cast %parallel_loop3A_213 : vector<1x1x16xf32> to vector<16xf32>
        %parallel_loop3A_215 = vector.shape_cast %parallel_loop3A_209 : vector<16xf32> to vector<1x1x16xf32>
        tpu.vector_store %arg11[%parallel_loop3A_210, %parallel_loop3A_211, %parallel_loop3A_212], %parallel_loop3A_215 {strides = array<i32>} : memref<4x20x64xf32, #tpu.memory_space<vmem>>, vector<1x1x16xf32>,
        %parallel_loop3A_216 = arith.index_cast %parallel_loop3A_120 : i32 to index
        %parallel_loop3A_217 = arith.constant 64 : index
        %parallel_loop3A_218 = tpu.vector_load %arg8[%parallel_loop3A_216, %parallel_loop3A_217] {strides = array<i32>} : memref<80x128xf32, #tpu.memory_space<vmem>>, vector<1x16xf32>,
        %parallel_loop3A_219 = vector.shape_cast %parallel_loop3A_218 : vector<1x16xf32> to vector<16xf32>
        %parallel_loop3A_220 = arith.constant 28.7231331 : f32
        %parallel_loop3A_221 = vector.broadcast %parallel_loop3A_220 : f32 to vector<16xf32>
        %parallel_loop3A_222 = arith.mulf %parallel_loop3A_219, %parallel_loop3A_221 : vector<16xf32>
        %parallel_loop3A_223 = math.tanh %parallel_loop3A_222 : vector<16xf32>
        %parallel_loop3A_224 = arith.constant 1.57079637 : f32
        %parallel_loop3A_225 = vector.broadcast %parallel_loop3A_224 : f32 to vector<16xf32>
        %parallel_loop3A_226 = arith.mulf %parallel_loop3A_225, %parallel_loop3A_223 : vector<16xf32>
        %parallel_loop3A_227 = arith.constant 1.57079637 : f32
        %parallel_loop3A_228 = vector.broadcast %parallel_loop3A_227 : f32 to vector<16xf32>
        %parallel_loop3A_229 = arith.addf %parallel_loop3A_226, %parallel_loop3A_228 : vector<16xf32>
        %parallel_loop3A_230 = arith.index_cast %parallel_loop3A_144 : i32 to index
        %parallel_loop3A_231 = arith.index_cast %parallel_loop3A_147 : i32 to index
        %parallel_loop3A_232 = arith.constant 0 : index
        %parallel_loop3A_233 = tpu.vector_load %arg12[%parallel_loop3A_230, %parallel_loop3A_231, %parallel_loop3A_232] {strides = array<i32>} : memref<4x20x64xf32, #tpu.memory_space<vmem>>, vector<1x1x16xf32>,
        %parallel_loop3A_234 = vector.shape_cast %parallel_loop3A_233 : vector<1x1x16xf32> to vector<16xf32>
        %parallel_loop3A_235 = vector.shape_cast %parallel_loop3A_229 : vector<16xf32> to vector<1x1x16xf32>
        tpu.vector_store %arg12[%parallel_loop3A_230, %parallel_loop3A_231, %parallel_loop3A_232], %parallel_loop3A_235 {strides = array<i32>} : memref<4x20x64xf32, #tpu.memory_space<vmem>>, vector<1x1x16xf32>,
        %parallel_loop3A_236 = arith.index_cast %parallel_loop3A_120 : i32 to index
        %parallel_loop3A_237 = arith.constant 80 : index
        %parallel_loop3A_238 = tpu.vector_load %arg8[%parallel_loop3A_236, %parallel_loop3A_237] {strides = array<i32>} : memref<80x128xf32, #tpu.memory_space<vmem>>, vector<1x16xf32>,
        %parallel_loop3A_239 = vector.shape_cast %parallel_loop3A_238 : vector<1x16xf32> to vector<16xf32>
        %parallel_loop3A_240 = arith.constant 28.7231331 : f32
        %parallel_loop3A_241 = vector.broadcast %parallel_loop3A_240 : f32 to vector<16xf32>
        %parallel_loop3A_242 = arith.mulf %parallel_loop3A_239, %parallel_loop3A_241 : vector<16xf32>
        %parallel_loop3A_243 = math.tanh %parallel_loop3A_242 : vector<16xf32>
        %parallel_loop3A_244 = arith.constant 1.57079637 : f32
        %parallel_loop3A_245 = vector.broadcast %parallel_loop3A_244 : f32 to vector<16xf32>
        %parallel_loop3A_246 = arith.mulf %parallel_loop3A_245, %parallel_loop3A_243 : vector<16xf32>
        %parallel_loop3A_247 = arith.constant 1.57079637 : f32
        %parallel_loop3A_248 = vector.broadcast %parallel_loop3A_247 : f32 to vector<16xf32>
        %parallel_loop3A_249 = arith.addf %parallel_loop3A_246, %parallel_loop3A_248 : vector<16xf32>
        %parallel_loop3A_250 = arith.index_cast %parallel_loop3A_144 : i32 to index
        %parallel_loop3A_251 = arith.index_cast %parallel_loop3A_147 : i32 to index
        %parallel_loop3A_252 = arith.constant 16 : index
        %parallel_loop3A_253 = tpu.vector_load %arg12[%parallel_loop3A_250, %parallel_loop3A_251, %parallel_loop3A_252] {strides = array<i32>} : memref<4x20x64xf32, #tpu.memory_space<vmem>>, vector<1x1x16xf32>,
        %parallel_loop3A_254 = vector.shape_cast %parallel_loop3A_253 : vector<1x1x16xf32> to vector<16xf32>
        %parallel_loop3A_255 = vector.shape_cast %parallel_loop3A_249 : vector<16xf32> to vector<1x1x16xf32>
        tpu.vector_store %arg12[%parallel_loop3A_250, %parallel_loop3A_251, %parallel_loop3A_252], %parallel_loop3A_255 {strides = array<i32>} : memref<4x20x64xf32, #tpu.memory_space<vmem>>, vector<1x1x16xf32>,
        %parallel_loop3A_256 = arith.index_cast %parallel_loop3A_120 : i32 to index
        %parallel_loop3A_257 = arith.constant 96 : index
        %parallel_loop3A_258 = tpu.vector_load %arg8[%parallel_loop3A_256, %parallel_loop3A_257] {strides = array<i32>} : memref<80x128xf32, #tpu.memory_space<vmem>>, vector<1x16xf32>,
        %parallel_loop3A_259 = vector.shape_cast %parallel_loop3A_258 : vector<1x16xf32> to vector<16xf32>
        %parallel_loop3A_260 = arith.constant 28.7231331 : f32
        %parallel_loop3A_261 = vector.broadcast %parallel_loop3A_260 : f32 to vector<16xf32>
        %parallel_loop3A_262 = arith.mulf %parallel_loop3A_259, %parallel_loop3A_261 : vector<16xf32>
        %parallel_loop3A_263 = math.tanh %parallel_loop3A_262 : vector<16xf32>
        %parallel_loop3A_264 = arith.constant 1.57079637 : f32
        %parallel_loop3A_265 = vector.broadcast %parallel_loop3A_264 : f32 to vector<16xf32>
        %parallel_loop3A_266 = arith.mulf %parallel_loop3A_265, %parallel_loop3A_263 : vector<16xf32>
        %parallel_loop3A_267 = arith.constant 1.57079637 : f32
        %parallel_loop3A_268 = vector.broadcast %parallel_loop3A_267 : f32 to vector<16xf32>
        %parallel_loop3A_269 = arith.addf %parallel_loop3A_266, %parallel_loop3A_268 : vector<16xf32>
        %parallel_loop3A_270 = arith.index_cast %parallel_loop3A_144 : i32 to index
        %parallel_loop3A_271 = arith.index_cast %parallel_loop3A_147 : i32 to index
        %parallel_loop3A_272 = arith.constant 32 : index
        %parallel_loop3A_273 = tpu.vector_load %arg12[%parallel_loop3A_270, %parallel_loop3A_271, %parallel_loop3A_272] {strides = array<i32>} : memref<4x20x64xf32, #tpu.memory_space<vmem>>, vector<1x1x16xf32>,
        %parallel_loop3A_274 = vector.shape_cast %parallel_loop3A_273 : vector<1x1x16xf32> to vector<16xf32>
        %parallel_loop3A_275 = vector.shape_cast %parallel_loop3A_269 : vector<16xf32> to vector<1x1x16xf32>
        tpu.vector_store %arg12[%parallel_loop3A_270, %parallel_loop3A_271, %parallel_loop3A_272], %parallel_loop3A_275 {strides = array<i32>} : memref<4x20x64xf32, #tpu.memory_space<vmem>>, vector<1x1x16xf32>,
        %parallel_loop3A_276 = arith.index_cast %parallel_loop3A_120 : i32 to index
        %parallel_loop3A_277 = arith.constant 112 : index
        %parallel_loop3A_278 = tpu.vector_load %arg8[%parallel_loop3A_276, %parallel_loop3A_277] {strides = array<i32>} : memref<80x128xf32, #tpu.memory_space<vmem>>, vector<1x16xf32>,
        %parallel_loop3A_279 = vector.shape_cast %parallel_loop3A_278 : vector<1x16xf32> to vector<16xf32>
        %parallel_loop3A_280 = arith.constant 28.7231331 : f32
        %parallel_loop3A_281 = vector.broadcast %parallel_loop3A_280 : f32 to vector<16xf32>
        %parallel_loop3A_282 = arith.mulf %parallel_loop3A_279, %parallel_loop3A_281 : vector<16xf32>
        %parallel_loop3A_283 = math.tanh %parallel_loop3A_282 : vector<16xf32>
        %parallel_loop3A_284 = arith.constant 1.57079637 : f32
        %parallel_loop3A_285 = vector.broadcast %parallel_loop3A_284 : f32 to vector<16xf32>
        %parallel_loop3A_286 = arith.mulf %parallel_loop3A_285, %parallel_loop3A_283 : vector<16xf32>
        %parallel_loop3A_287 = arith.constant 1.57079637 : f32
        %parallel_loop3A_288 = vector.broadcast %parallel_loop3A_287 : f32 to vector<16xf32>
        %parallel_loop3A_289 = arith.addf %parallel_loop3A_286, %parallel_loop3A_288 : vector<16xf32>
        %parallel_loop3A_290 = arith.index_cast %parallel_loop3A_144 : i32 to index
        %parallel_loop3A_291 = arith.index_cast %parallel_loop3A_147 : i32 to index
        %parallel_loop3A_292 = arith.constant 48 : index
        %parallel_loop3A_293 = tpu.vector_load %arg12[%parallel_loop3A_290, %parallel_loop3A_291, %parallel_loop3A_292] {strides = array<i32>} : memref<4x20x64xf32, #tpu.memory_space<vmem>>, vector<1x1x16xf32>,
        %parallel_loop3A_294 = vector.shape_cast %parallel_loop3A_293 : vector<1x1x16xf32> to vector<16xf32>
        %parallel_loop3A_295 = vector.shape_cast %parallel_loop3A_289 : vector<16xf32> to vector<1x1x16xf32>
        tpu.vector_store %arg12[%parallel_loop3A_290, %parallel_loop3A_291, %parallel_loop3A_292], %parallel_loop3A_295 {strides = array<i32>} : memref<4x20x64xf32, #tpu.memory_space<vmem>>, vector<1x1x16xf32>,
      } {sc.loop_unroll_factor = 4 : i64, sc.parallel_access}
      %mul3A_103 = arith.constant 512 : i32
      %mul3A_104 = arith.muli %add3A, %mul3A_103 : i32
      %mul3A_105 = arith.constant 4 : i32
      %mul3A_106 = arith.muli %add3A_49, %mul3A_105 : i32
      %add3A_107 = arith.addi %mul3A_104, %mul3A_106 : i32
      %dma_start3A_108 = arith.constant 0 : i32
      %dma_start3A_109 = arith.constant 0 : i32
      %dma_start3A_110 = tpu.memref_slice %arg4[%add3A_107, %dma_start3A_108, %dma_start3A_109] : memref<16384x20x64xf32, #tpu.memory_space<hbm>> -> memref<4x20x64xf32, #tpu.memory_space<hbm>>
      %dma_start3A_111 = arith.constant 0 : i32
      %dma_start3A_112 = arith.constant 0 : i32
      %dma_start3A_113 = tpu.memref_slice %arg4[%add3A_107, %dma_start3A_111, %dma_start3A_112] : memref<16384x20x64xf32, #tpu.memory_space<hbm>> -> memref<4x20x64xf32, #tpu.memory_space<hbm>>
      tpu.enqueue_dma source(%arg11 : memref<4x20x64xf32, #tpu.memory_space<vmem>>) target(%dma_start3A_113 : memref<4x20x64xf32, #tpu.memory_space<hbm>>) target_semaphore(%arg16 : memref<!tpu.dma_semaphore, #tpu.memory_space<semaphore_mem>>)
      %dma_start3A_114 = arith.constant 0 : i32
      %dma_start3A_115 = arith.constant 0 : i32
      %dma_start3A_116 = tpu.memref_slice %arg5[%add3A_107, %dma_start3A_114, %dma_start3A_115] : memref<16384x20x64xf32, #tpu.memory_space<hbm>> -> memref<4x20x64xf32, #tpu.memory_space<hbm>>
      %dma_start3A_117 = arith.constant 0 : i32
      %dma_start3A_118 = arith.constant 0 : i32
      %dma_start3A_119 = tpu.memref_slice %arg5[%add3A_107, %dma_start3A_117, %dma_start3A_118] : memref<16384x20x64xf32, #tpu.memory_space<hbm>> -> memref<4x20x64xf32, #tpu.memory_space<hbm>>
      tpu.enqueue_dma source(%arg12 : memref<4x20x64xf32, #tpu.memory_space<vmem>>) target(%dma_start3A_119 : memref<4x20x64xf32, #tpu.memory_space<hbm>>) target_semaphore(%arg16 : memref<!tpu.dma_semaphore, #tpu.memory_space<semaphore_mem>>)
    }
    %scan3A_13 = arith.constant 64 : i32
    %dma_wait3A = arith.constant 0 : i32
    %dma_wait3A_14 = arith.constant 0 : i32
    %dma_wait3A_15 = arith.constant 0 : i32
    %dma_wait3A_16 = tpu.memref_slice %arg4[%dma_wait3A, %dma_wait3A_14, %dma_wait3A_15] : memref<16384x20x64xf32, #tpu.memory_space<hbm>> -> memref<4x20x64xf32, #tpu.memory_space<hbm>>
    %dma_wait3A_17 = arith.constant 0 : i32
    %dma_wait3A_18 = arith.constant 0 : i32
    %dma_wait3A_19 = arith.constant 0 : i32
    %dma_wait3A_20 = tpu.memref_slice %arg4[%dma_wait3A_17, %dma_wait3A_18, %dma_wait3A_19] : memref<16384x20x64xf32, #tpu.memory_space<hbm>> -> memref<4x20x64xf32, #tpu.memory_space<hbm>>
    tpu.wait_dma2 semaphore(%arg15 : memref<!tpu.dma_semaphore, #tpu.memory_space<semaphore_mem>>) src(%dma_wait3A_20 : memref<4x20x64xf32, #tpu.memory_space<hbm>>) dst(%arg9 : memref<4x20x64xf32, #tpu.memory_space<vmem>>)
    %dma_wait3A_21 = arith.constant 0 : i32
    %dma_wait3A_22 = arith.constant 0 : i32
    %dma_wait3A_23 = arith.constant 0 : i32
    %dma_wait3A_24 = tpu.memref_slice %arg5[%dma_wait3A_21, %dma_wait3A_22, %dma_wait3A_23] : memref<16384x20x64xf32, #tpu.memory_space<hbm>> -> memref<4x20x64xf32, #tpu.memory_space<hbm>>
    %dma_wait3A_25 = arith.constant 0 : i32
    %dma_wait3A_26 = arith.constant 0 : i32
    %dma_wait3A_27 = arith.constant 0 : i32
    %dma_wait3A_28 = tpu.memref_slice %arg5[%dma_wait3A_25, %dma_wait3A_26, %dma_wait3A_27] : memref<16384x20x64xf32, #tpu.memory_space<hbm>> -> memref<4x20x64xf32, #tpu.memory_space<hbm>>
    tpu.wait_dma2 semaphore(%arg15 : memref<!tpu.dma_semaphore, #tpu.memory_space<semaphore_mem>>) src(%dma_wait3A_28 : memref<4x20x64xf32, #tpu.memory_space<hbm>>) dst(%arg10 : memref<4x20x64xf32, #tpu.memory_space<vmem>>)
    %dma_wait3A_29 = arith.constant 0 : i32
    %dma_wait3A_30 = arith.constant 0 : i32
    %dma_wait3A_31 = arith.constant 0 : i32
    %dma_wait3A_32 = tpu.memref_slice %arg4[%dma_wait3A_29, %dma_wait3A_30, %dma_wait3A_31] : memref<16384x20x64xf32, #tpu.memory_space<hbm>> -> memref<4x20x64xf32, #tpu.memory_space<hbm>>
    %dma_wait3A_33 = arith.constant 0 : i32
    %dma_wait3A_34 = arith.constant 0 : i32
    %dma_wait3A_35 = arith.constant 0 : i32
    %dma_wait3A_36 = tpu.memref_slice %arg4[%dma_wait3A_33, %dma_wait3A_34, %dma_wait3A_35] : memref<16384x20x64xf32, #tpu.memory_space<hbm>> -> memref<4x20x64xf32, #tpu.memory_space<hbm>>
    tpu.wait_dma2 semaphore(%arg16 : memref<!tpu.dma_semaphore, #tpu.memory_space<semaphore_mem>>) src(%dma_wait3A_36 : memref<4x20x64xf32, #tpu.memory_space<hbm>>) dst(%arg11 : memref<4x20x64xf32, #tpu.memory_space<vmem>>)
    %dma_wait3A_37 = arith.constant 0 : i32
    %dma_wait3A_38 = arith.constant 0 : i32
    %dma_wait3A_39 = arith.constant 0 : i32
    %dma_wait3A_40 = tpu.memref_slice %arg5[%dma_wait3A_37, %dma_wait3A_38, %dma_wait3A_39] : memref<16384x20x64xf32, #tpu.memory_space<hbm>> -> memref<4x20x64xf32, #tpu.memory_space<hbm>>
    %dma_wait3A_41 = arith.constant 0 : i32
    %dma_wait3A_42 = arith.constant 0 : i32
    %dma_wait3A_43 = arith.constant 0 : i32
    %dma_wait3A_44 = tpu.memref_slice %arg5[%dma_wait3A_41, %dma_wait3A_42, %dma_wait3A_43] : memref<16384x20x64xf32, #tpu.memory_space<hbm>> -> memref<4x20x64xf32, #tpu.memory_space<hbm>>
    tpu.wait_dma2 semaphore(%arg16 : memref<!tpu.dma_semaphore, #tpu.memory_space<semaphore_mem>>) src(%dma_wait3A_44 : memref<4x20x64xf32, #tpu.memory_space<hbm>>) dst(%arg12 : memref<4x20x64xf32, #tpu.memory_space<vmem>>)
    return
  }
}

</mosaic_0001>

<sc_bundles>
// kernel: kernel.3.cloned.1.call-start
scs
__scs_entry_jumppad:
0x0: {  	(pc) =	sbr.rel $0x88, $3  }
0x1: {  	(tag) =	ssettag $0x0;
	lr =	simm.s32 $0x1  }
0x2: {  	[smem:$0x3F9F] =	sst lr;
	_ =	strace $0xD0000000  }
0x3: {  	_ = 	snop  }
0x4: {  	_ = 	snop  }
0x5: {  	_ = 	snop  }
0x6: {  	_ = 	snop  }
0x7: {  	_ = 	snop  }
__scs_overlays_trampoline_lowered:
0x8: {  	[smem:$0x3FAE] =	sst s0  }
0x9: {  	[smem:$0x3FAF] =	sst s1  }
0xa: {  	[smem:$0x3FB0] =	sst s2  }
0xb: {  	[smem:$0x3FB1] =	sst s3  }
0xc: {  	[smem:$0x3FB2] =	sst s4  }
0xd: {  	[smem:$0x3FB3] =	sst s5  }
0xe: {  	[smem:$0x3FB4] =	sst s6  }
0xf: {  	[smem:$0x3FB5] =	sst s7  }
0x10: {  	[smem:$0x3FB6] =	sst s8  }
0x11: {  	[smem:$0x3FB7] =	sst s9;
	s0 =	simm.s32 @!p0 $0x0  }
0x12: {  	s1 =	sld [smem:$0x3F9D];
	s0 =	simm.s32 @p0 $0x1  }
0x13: {  	[smem:$0x3FB8] =	sst s0;
	s0 =	simm.s32 @!p1 $0x0  }
0x14: {  	s2 =	sld [smem:$0x3F9C];
	s0 =	simm.s32 @p1 $0x1  }
0x15: {  	[smem:$0x3FB9] =	sst s0;
	s0 =	simm.s32 @!p2 $0x0  }
0x16: {  	s3 =	sld [smem:$0x3FDB];
	s0 =	simm.s32 @p2 $0x1  }
0x17: {  	s4 =	simm.s32 $0x1BF5;
	[smem:$0x3FBB] =	sst s0  }
0x18: {  	s0 =	sld [smem:$0x3F9E];
	_ =	swait.ge [sflag:s4], $0x0  }
0x19: {  	s7 =	sld [smem:$0x3F9F]  }
0x1a: {  	s8 =	sadd.s32 $0xFFFFE003, lr  }
0x1b: {  	s9 =	sadd.s32 $0xFFFFFEF7, lr;
	s5 =	simm.s32 $0xFFFFFFFF;
	p2 =	slt.u32 s8, $0xFFFFF086  }
0x1c: {  	p1 =	slt.u32 s9, $0xF7A;
	s5 =	simm.s32 @!p2 $0x0  }
0x1d: {  	s5 =	simm.s32 @p1 $0x1;
	p0 =	seq.s32 s7, s2  }
0x1e: {  	s7 =	smul.u32 @!p0 $0xF7A, s2;
	p2 =	seq.s32 @!p0 s5, $0x0  }
0x1f: {  	s9 =	smul.u32 $0xF7A, s1;
	s8 =	simm.s32 @!p0 $0x1BF5;
	p2 =	por !p2, p0  }
0x20: {  	[sflag:s8] =	ssyncset.s32 @!p0 $0xFFFFF086;
	s6 =	sadd.s32 @!p0 s3, s7;
	s7 =	simm.s32 @!p0 $0x108  }
0x21: {  	s3 =	sadd.s32 s3, s9;
	s6 =	sadd.s32 @!p0 $0x88, s6;
	s7 =	simm.s32 @p2 $0x1082  }
0x22: {  	[simem:s7], [sflag:s8] =	dma.local @!p0 [hbm:s6], $0xF7A  }
0x23: {  	s9 =	sor.u32 $0xD0000000, s2;
	s6 =	simm.s32 $0x108;
	_ =	swait.ge @!p0 [sflag:s8], $0x0  }
0x24: {  	s3 =	sadd.s32 $0x88, s3;
	s6 =	simm.s32 @!p1 $0x1082;
	[sflag:s4] =	ssyncset.s32 $0xFFFFF086  }
0x25: {  	[simem:s6], [sflag:s4] =	dma.local [hbm:s3], $0xF7A  }
0x26: {  	[smem:$0x3F9F] =	sst s1;
	(tag) =	ssettag s2;
	_ =	strace s9  }
0x27: {  	s1 =	sld [smem:$0x3FAF]  }
0x28: {  	s2 =	sld [smem:$0x3FB0]  }
0x29: {  	s4 =	sld [smem:$0x3FB2]  }
0x2a: {  	p0 =	seq.s32 s5, $0x0;
	s5 =	sld [smem:$0x3FB3]  }
0x2b: {  	s6 =	sld [smem:$0x3FB4]  }
0x2c: {  	s7 =	sld [smem:$0x3FB5]  }
0x2d: {  	s3 =	simm.s32 $0x108;
	s8 =	sld [smem:$0x3FB6]  }
0x2e: {  	s3 =	simm.s32 @!p0 $0x1082;
	s9 =	sld [smem:$0x3FB7]  }
0x2f: {  	lr =	sadd.s32 s0, s3;
	s0 =	sld [smem:$0x3FAE]  }
0x30: {  	s3 =	sld [smem:$0x3FB1]  }
0x31: {  	[smem:$0x3FBA] =	sst s10  }
0x32: {  	s10 =	sld [smem:$0x3FB8];
	_ =	sdelay $0x3  }
0x33: {  	p0 =	seq.s32 s10, $0x1;
	s10 =	sld [smem:$0x3FBA];
	_ =	sdelay $0x3  }
0x34: {  	[smem:$0x3FBA] =	sst s10  }
0x35: {  	s10 =	sld [smem:$0x3FB9];
	_ =	sdelay $0x3  }
0x36: {  	p1 =	seq.s32 s10, $0x1;
	s10 =	sld [smem:$0x3FBA];
	_ =	sdelay $0x3  }
0x37: {  	[smem:$0x3FBA] =	sst s10  }
0x38: {  	s10 =	sld [smem:$0x3FBB]  }
0x39: {  	_ = 	snop;
	(pc) =	sbr.ind lr, $3  }
0x3a: {  	_ = 	snop  }
0x3b: {  	_ = 	snop  }
0x3c: {  	p2 =	seq.s32 s10, $0x1;
	s10 =	sld [smem:$0x3FBA]  }
0x3d: {  	_ =	shalt  }
0x3e: {  	_ =	shalt  }
0x3f: {  	_ =	shalt  }
0x40: {  	_ =	shalt  }
0x41: {  	_ =	shalt  }
0x42: {  	_ =	shalt  }
0x43: {  	_ =	shalt  }
0x44: {  	_ =	shalt  }
0x45: {  	_ =	shalt  }
0x46: {  	_ =	shalt  }
0x47: {  	_ =	shalt  }
0x48: {  	_ =	shalt  }
0x49: {  	_ =	shalt  }
0x4a: {  	_ =	shalt  }
0x4b: {  	_ =	shalt  }
0x4c: {  	_ =	shalt  }
0x4d: {  	_ =	shalt  }
0x4e: {  	_ =	shalt  }
0x4f: {  	_ =	shalt  }
0x50: {  	_ =	shalt  }
0x51: {  	_ =	shalt  }
0x52: {  	_ =	shalt  }
0x53: {  	_ =	shalt  }
0x54: {  	_ =	shalt  }
0x55: {  	_ =	shalt  }
0x56: {  	_ =	shalt  }
0x57: {  	_ =	shalt  }
0x58: {  	_ =	shalt  }
0x59: {  	_ =	shalt  }
0x5a: {  	_ =	shalt  }
0x5b: {  	_ =	shalt  }
0x5c: {  	_ =	shalt  }
0x5d: {  	_ =	shalt  }
0x5e: {  	_ =	shalt  }
0x5f: {  	_ =	shalt  }
0x60: {  	_ =	shalt  }
0x61: {  	_ =	shalt  }
0x62: {  	_ =	shalt  }
0x63: {  	_ =	shalt  }
0x64: {  	_ =	shalt  }
0x65: {  	_ =	shalt  }
0x66: {  	_ =	shalt  }
0x67: {  	_ =	shalt  }
0x68: {  	_ =	shalt  }
0x69: {  	_ =	shalt  }
0x6a: {  	_ =	shalt  }
0x6b: {  	_ =	shalt  }
0x6c: {  	_ =	shalt  }
0x6d: {  	_ =	shalt  }
0x6e: {  	_ =	shalt  }
0x6f: {  	_ =	shalt  }
0x70: {  	_ =	shalt  }
0x71: {  	_ =	shalt  }
0x72: {  	_ =	shalt  }
0x73: {  	_ =	shalt  }
0x74: {  	_ =	shalt  }
0x75: {  	_ =	shalt  }
0x76: {  	_ =	shalt  }
0x77: {  	_ =	shalt  }
0x78: {  	_ =	shalt  }
0x79: {  	_ =	shalt  }
0x7a: {  	_ =	shalt  }
0x7b: {  	_ =	shalt  }
0x7c: {  	_ =	shalt  }
0x7d: {  	_ =	shalt  }
0x7e: {  	_ =	shalt  }
0x7f: {  	_ =	shalt  }
0x80: {  	_ =	shalt  }
0x81: {  	_ =	shalt  }
0x82: {  	_ =	shalt  }
0x83: {  	_ =	shalt  }
0x84: {  	_ =	shalt  }
0x85: {  	_ =	shalt  }
0x86: {  	_ =	shalt  }
0x87: {  	_ =	shalt  }
.Lfunc_end0:
.L_simem_size_0:
called_computation_lowered:
.L_overlay_start_0:
0x88: {  	s2 =	sld [smem:$0x3FD9]  }
0x89: {  	s3 =	sld [smem:$0x3FFE];
	_ =	sdelay $0x1  }
0x8a: {  	s1 =	srdreg.scid  }
0x8b: {  	s0 =	sand.u32 $0x1, s1  }
0x8c: {  	s14 =	sshll.u32 s0, $0xA;
	s2 =	sadd.s32 s3, s2  }
0x8d: {  	s2 =	sadd.s32 s2, s14  }
0x8e: {  	[smem:$0x3FC6] =	sst s2  }
0x8f: {  	_ = 	snop  }
0x90: {  	s2 =	sld [smem:$0x3FD0];
	_ =	sdelay $0x2  }
0x91: {  	s4 =	simm.s32 $0xA;
	s5 =	simm.s32 $0x10;
	s15 =	sld [smem:$0x3FC9]  }
0x92: {  	[smem:s5], [sflag:s4] =	dma.local [hbm:s2], $0x1  }
0x93: {  	_ =	swait.eq [sflag:s4], $0x1  }
0x94: {  	[sflag:s4] =	ssyncset.done $0x0  }
0x95: {  	[sflag:s4] =	ssyncadd.s32 $0xFFFFFFFF  }
0x96: {  	s16 =	sld [smem:$0x11];
	(tm) =	ssettm $0x1  }
0x97: {  	s17 =	sld [smem:$0x3FFB];
	_ =	sdelay $0x3  }
0x98: {  	_ =	strace s17  }
0x99: {  	s4 =	sld [smem:$0x3FFC];
	_ =	sdelay $0x3  }
0x9a: {  	_ =	strace s4  }
0x9b: {  	s4 =	sld [smem:$0x3FFD];
	_ =	sdelay $0x3  }
0x9c: {  	_ =	strace s4  }
0x9d: {  	_ =	strace $0x8FFFFFFF  }
0x9e: {  	s18 =	sld [smem:$0x3FDB];
	_ =	sdelay $0x1  }
0x9f: {  	s19 =	simm.s32 $_scs_section_size  }
0xa0: {  	s6 =	simm.s32 $_size__tile_overlayer_lowered;
	s7 =	simm.s32 $_tile_overlayer_lowered  }
0xa1: {  	s22 =	simm.s32 $0x1BFF;
	s21 =	sshll.u32 s7, $0x1;
	s4 =	sadd.s32 s19, s18  }
0xa2: {  	s8 =	simm.s32 $0x0;
	s20 =	sshll.u32 s6, $0x1;
	s6 =	sadd.s32 s21, s4  }
0xa3: {  	[timem:s8], [sflag:s22] =	dma.local [hbm:s6], s20  }
0xa4: {  	_ =	swait.ge [sflag:s22], s20  }
0xa5: {  	s5 =	ssub.s32 $0x0, s20;
	[sflag:s22] =	ssyncset.done $0x0  }
0xa6: {  	[sflag:s22] =	ssyncadd.s32 s5;
	_ =	sdelay $0x1  }
0xa7: {  	s23 =	simm.s32 $0x1B8B  }
0xa8: {  	_ =	swait.ge [sflag:s23], $0x1  }
0xa9: {  	[sflag:s23] =	ssyncset.done $0x0  }
0xaa: {  	s25 =	simm.s32 $0x1B8E;
	s24 =	sld [smem:$0x3FFE];
	[sflag:s23] =	ssyncadd.s32 $0xFFFFFFFF  }
0xab: {  	s26 =	simm.s32 $execute0_lowered;
	[smem:$0x3FD2] =	sst s25  }
0xac: {  	s6 =	sshll.u32 s26, $0x1;
	_ =	strace $0x80000046;
	[dreg:$0x1] =	wrdreg $0xFFFFFFFF  }
0xad: {  	s28 =	simm.s32 $_size_execute0_lowered;
	s4 =	sadd.s32 s4, s6;
	[dreg:$0x0] =	wrdreg $0x0  }
0xae: {  	s6 =	sshll.u32 s28, $0x1;
	[dreg:$0x2] =	wrdreg s4  }
0xaf: {  	[dreg:$0x3] =	wrdreg s6  }
0xb0: {  	[dreg:$0x4] =	wrdreg $0xC0  }
0xb1: {  	_ =	task [dreg:s8], $0x5FFFF  }
0xb2: {  	[dreg:$0x1] =	wrdreg $0xFFFFFFFF  }
0xb3: {  	[dreg:$0x0] =	wrdreg $0x60  }
0xb4: {  	[dreg:$0x2] =	wrdreg s15  }
0xb5: {  	[dreg:$0x3] =	wrdreg s16  }
0xb6: {  	[dreg:$0x4] =	wrdreg s24  }
0xb7: {  	[dreg:$0x5] =	wrdreg $0x9  }
0xb8: {  	_ =	task.clear_ibuf [dreg:s8], $0x6FFFF;
	_ =	strace $0x90000046  }
0xb9: {  	s29 =	simm.s32 $0x9;
	_ =	strace $0x80000048  }
0xba: {  	_ =	swait.ge [sflag:s29], $0x1  }
0xbb: {  	[sflag:s29] =	ssyncadd.s32 $0xFFFFFFFF  }
0xbc: {  	_ =	strace $0x90000048  }
0xbd: {  	_ =	sfence  }
0xbe: {  	s30 =	sld [smem:$0x0];
	_ =	sdelay $0x2  }
0xbf: {  	s31 =	sshll.u32 s1, $0xD;
	s1 =	sshrl.u32 s1, $0x2  }
0xc0: {  	s3 =	sand.u32 $0x4000, s31;
	s1 =	sadd.s32 s1, s30  }
0xc1: {  	s0 =	sor.u32 s3, s0;
	s1 =	sshll.u32 s1, $0x11  }
0xc2: {  	s0 =	sor.u32 s1, s0  }
0xc3: {  	s0 =	sadd.s32 $0x8F2B, s0  }
0xc4: {  	[sflag:s0] =	ssyncadd.remote.s32 $0x1  }
0xc5: {  	_ =	sfence.sel $0xFFFF  }
0xc6: {  	[dreg:$0x0] =	wrdreg $0xFFFFFFFF;
	(pc) =	sbr.abs _section_cstart, $3  }
0xc7: {  	[dreg:$0x1] =	wrdreg $0xFFFFFFFF  }
0xc8: {  	_ =	task.clear_ibuf [dreg:s8], $0x2FFFF;
	_ =	strace $0x9FFFFFFF  }
0xc9: {  	(tm) =	ssettm $0x7FFFFFFF  }
tec
execute0_lowered:
.L_overlay_start_1:
0x0: {  	(tag) =	ssettag $0x1  }
0x1: {  	s1 =	rddreg [dreg:$0x0]  }
0x2: {  	s0 =	rddreg [dreg:$0x1]  }
0x3: {  	s2 =	rddreg [dreg:$0x2];
	s3 =	simm.s32 $0x0;
	s4 =	srdreg.scid  }
0x4: {  	s5 =	stileid.u32;
	s10 =	simm.s32 $0x50;
	s13 =	simm.s32 $0x1  }
0x5: {  	s22 =	simm.s32 $0x2;
	s23 =	simm.s32 $0x4;
	s24 =	simm.s32 $0xF000  }
0x6: {  	s28 =	simm.s32 $0x11400;
	s29 =	simm.s32 $0x12000;
	s30 =	simm.s32 $0x12C00  }
0x7: {  	s31 =	simm.s32 $0x13800;
	[smem:$0x7FF] =	sst s3;
	s4 =	sand.u32 $0x1, s4  }
0x8: {  	s5 =	sshll.u32 s5, $0x1;
	_ =	strace $0x80000047;
	s6 =	ssub.s32 $0x2, s4  }
0x9: {  	s7 =	sor.u32 s4, s5;
	s4 =	sadd.s32 $0x800, s2;
	s5 =	sadd.s32 $0x600800, s2  }
0xa: {  	s8 =	sshrl.u32 s6, $0x1;
	s9 =	sshll.u32 s7, $0xB;
	s7 =	sshll.u32 s7, $0x9  }
0xb: {  	s25 =	ssub.s32 s6, s8;
	s0 =	sadd.s32 s0, s9;
	s6 =	simm.s32 $0x0  }
0xc: {  	[dreg:$0x4] =	wrdreg s0;
	s26 =	smax.u32 s25, $0x1;
	s25 =	simm.s32 $0xFC00  }
0xd: {  	s0 =	simm.s32 $0x14400;
	[dreg:$0x5] =	wrdreg s26;
	s26 =	simm.s32 $0x10800  }
.LBB2_1:
0xe: {  	[dreg:$0x6] =	wrdreg s6  }
0xf: {  	s2 =	rddreg [dreg:$0x4];
	s20 =	simm.s32 $0x5  }
0x10: {  	[tilespmem:s3], [sflag:$0x5] =	stream.linear.gather [hbm4b:s2+s3], $0x4000, $0x38;
	[tilespmem:$0x15000] =	vst v63  }
0x11: {  	_ =	swait.ge [sflag:s20], $0x4000  }
0x12: {  	[sflag:s20] =	ssyncset.done $0x0  }
0x13: {  	s21 =	simm.s32 $0x4000;
	s8 =	simm.s32 $0x0;
	[sflag:s20] =	ssyncadd.s32 $0xFFFFC000  }
0x14: {  	[tilespmem:s21], [sflag:$0x1] =	stream.indirect.gather [hbm4b:s1+s10], $0x80, s3, s10, $0xb8;
	[tilespmem:$0x15000] =	vst v63  }
.LBB2_2:
0x15: {  	s9 =	sshllo.u32 s8, $0x1  }
0x16: {  	s2 =	sshll.u32 s9, $0x7  }
0x17: {  	s6 =	simm.s32 $0x6800;
	s2 =	sand.u32 $0x3FFFFF80, s2  }
0x18: {  	[tilespmem:s6], [sflag:$0x2] =	stream.indirect.gather [hbm4b:s1+s10], $0x80, s2, s10, $0xb8;
	[tilespmem:$0x15000] =	vst v63  }
0x19: {  	_ =	swait.ge [sflag:s13], $0x2800  }
0x1a: {  	p0 =	seq.s32 s8, $0x0;
	[sflag:s13] =	ssyncset.done $0x0  }
0x1b: {  	s2 =	simm.s32 @!p0 $0x3;
	[sflag:s13] =	ssyncadd.s32 $0xFFFFD800  }
0x1c: {  	_ =	swait.ge @!p0 [sflag:s2], $0x2800  }
0x1d: {  	[sflag:s2] =	ssyncset.done @!p0 $0x0  }
0x1e: {  	[sflag:s2] =	ssyncadd.s32 @!p0 $0xFFFFD800  }
0x1f: {  	_ =	swait.ge @!p0 [sflag:s2], $0x2800  }
0x20: {  	[sflag:s2] =	ssyncset.done @!p0 $0x0  }
0x21: {  	s17 =	simm.s32 $0x0;
	[sflag:s2] =	ssyncadd.s32 @!p0 $0xFFFFD800  }
0x22: {  	v0 =	vld [tilespmem:s17+$0x4180];
	_ =	sdelay $0x4  }
0x23: {  	v1 =	vld [tilespmem:s17+$0x4000];
	v0 =	vmul.f32 $1.436156650e+01, v0  }
0x24: {  	v2 =	vld [tilespmem:s17+$0x4080]  }
0x25: {  	v3 =	vld [tilespmem:s17+$0x4100];
	(erf) = vtanh.f32 v0;
	_ =	sdelay $0x2  }
0x26: {  	v0 =	vmul.f32 $1.436156650e+01, v1  }
0x27: {  	v1 =	vmul.f32 $1.436156650e+01, v2  }
0x28: {  	v2 =	vmul.f32 $1.436156650e+01, v3;
	(erf) = vtanh.f32 v0  }
0x29: {  	(erf) = vtanh.f32 v1  }
0x2a: {  	s20 =	simm.s32 $0x0;
	(erf) = vtanh.f32 v2  }
0x2b: {  	s2 =	smulhi.u32 $0xCCCCCCCD, s20  }
0x2c: {  	v0 =	vpop (erf)  }
0x2d: {  	s2 =	sshll.u32 s2, $0x5;
	v0 =	vmul.f32 $3.141592740e+00, v0  }
0x2e: {  	s2 =	sand.u32 $0x3FFFFE00, s2  }
0x2f: {  	s2 =	sadd.s32 $0x0, s2  }
0x30: {  	[tilespmem:s2+$0x9180] =	vst v0  }
0x31: {  	v1 =	vld [tilespmem:s17+$0x4190];
	v0 =	vpop (erf)  }
0x32: {  	v0 =	vmul.f32 $3.141592740e+00, v0;
	v2 =	vpop (erf)  }
0x33: {  	v2 =	vmul.f32 $3.141592740e+00, v2;
	v3 =	vpop (erf)  }
0x34: {  	[tilespmem:s2+$0x9000] =	vst v0;
	v0 =	vmul.f32 $3.141592740e+00, v3  }
0x35: {  	[tilespmem:s2+$0x9080] =	vst v2  }
0x36: {  	v3 =	vld [tilespmem:s17+$0x4010];
	[tilespmem:s2+$0x9100] =	vst v0;
	v0 =	vmul.f32 $1.436156650e+01, v1  }
0x37: {  	v2 =	vld [tilespmem:s17+$0x4090]  }
0x38: {  	v1 =	vld [tilespmem:s17+$0x4110];
	(erf) = vtanh.f32 v0;
	_ =	sdelay $0x2  }
0x39: {  	v0 =	vmul.f32 $1.436156650e+01, v3  }
0x3a: {  	v2 =	vmul.f32 $1.436156650e+01, v2  }
0x3b: {  	(erf) = vtanh.f32 v0;
	v0 =	vmul.f32 $1.436156650e+01, v1;
	_ =	sdelay $0x1  }
0x3c: {  	(erf) = vtanh.f32 v2  }
0x3d: {  	(erf) = vtanh.f32 v0  }
0x3e: {  	v0 =	vpop (erf)  }
0x3f: {  	v0 =	vmul.f32 $3.141592740e+00, v0;
	_ =	sdelay $0x3  }
0x40: {  	[tilespmem:s2+$0x9190] =	vst v0;
	v0 =	vpop (erf)  }
0x41: {  	v0 =	vmul.f32 $3.141592740e+00, v0  }
0x42: {  	v1 =	vld [tilespmem:s17+$0x41A0];
	v2 =	vpop (erf)  }
0x43: {  	v2 =	vmul.f32 $3.141592740e+00, v2;
	v3 =	vpop (erf);
	[tilespmem:s2+$0x9010] =	vst v0  }
0x44: {  	v0 =	vmul.f32 $3.141592740e+00, v3;
	v3 =	vld [tilespmem:s17+$0x4020]  }
0x45: {  	[tilespmem:s2+$0x9090] =	vst v2  }
0x46: {  	v2 =	vld [tilespmem:s17+$0x40A0];
	[tilespmem:s2+$0x9110] =	vst v0  }
0x47: {  	v0 =	vmul.f32 $1.436156650e+01, v1;
	v1 =	vld [tilespmem:s17+$0x4120]  }
0x48: {  	s11 =	simm.s32 $0x200  }
0x49: {  	(erf) = vtanh.f32 v0;
	v0 =	vmul.f32 $1.436156650e+01, v3;
	v3 =	vld [tilespmem:s11+$0x4180];
	_ =	sdelay $0x1  }
0x4a: {  	v2 =	vmul.f32 $1.436156650e+01, v2  }
0x4b: {  	(erf) = vtanh.f32 v0;
	v1 =	vmul.f32 $1.436156650e+01, v1  }
0x4c: {  	(erf) = vtanh.f32 v2  }
0x4d: {  	v0 =	vld [tilespmem:s11+$0x4000];
	(erf) = vtanh.f32 v1;
	v1 =	vmul.f32 $1.436156650e+01, v3;
	_ =	sdelay $0x1  }
0x4e: {  	v3 =	vld [tilespmem:s11+$0x4100]  }
0x4f: {  	v2 =	vld [tilespmem:s11+$0x4080]  }
0x50: {  	(erf) = vtanh.f32 v1;
	v1 =	vpop (erf)  }
0x51: {  	v0 =	vmul.f32 $1.436156650e+01, v0;
	v1 =	vmul.f32 $3.141592740e+00, v1;
	_ =	sdelay $0x1  }
0x52: {  	(erf) = vtanh.f32 v0;
	v0 =	vmul.f32 $1.436156650e+01, v3  }
0x53: {  	v2 =	vmul.f32 $1.436156650e+01, v2  }
0x54: {  	[tilespmem:s2+$0x91A0] =	vst v1;
	v1 =	vpop (erf)  }
0x55: {  	(erf) = vtanh.f32 v2;
	v3 =	vpop (erf)  }
0x56: {  	(erf) = vtanh.f32 v0;
	v1 =	vmul.f32 $3.141592740e+00, v1;
	v0 =	vpop (erf)  }
0x57: {  	v0 =	vmul.f32 $3.141592740e+00, v0  }
0x58: {  	s21 =	simm.s32 $0x4;
	v2 =	vld [tilespmem:s17+$0x41B0];
	[tilespmem:s2+$0x9020] =	vst v1  }
0x59: {  	s6 =	smulhi.u32 $0xCCCCCCCD, s21;
	v1 =	vld [tilespmem:s17+$0x4030];
	_ =	sdelay $0x1  }
0x5a: {  	s6 =	sshll.u32 s6, $0x5;
	v3 =	vmul.f32 $3.141592740e+00, v3;
	[tilespmem:s2+$0x9120] =	vst v0;
	v0 =	vpop (erf)  }
0x5b: {  	s6 =	sand.u32 $0x3FFFFE00, s6;
	v0 =	vmul.f32 $3.141592740e+00, v0  }
0x5c: {  	s6 =	sadd.s32 $0x200, s6;
	[tilespmem:s2+$0x90A0] =	vst v3  }
0x5d: {  	v2 =	vmul.f32 $1.436156650e+01, v2;
	v3 =	vld [tilespmem:s17+$0x40B0];
	[tilespmem:s6+$0x9180] =	vst v0;
	v0 =	vmul.f32 $1.436156650e+01, v1  }
0x5e: {  	v4 =	vld [tilespmem:s17+$0x4130];
	v5 =	vpop (erf)  }
0x5f: {  	(erf) = vtanh.f32 v2;
	v2 =	vmul.f32 $3.141592740e+00, v5;
	v5 =	vld [tilespmem:s11+$0x4190]  }
0x60: {  	v1 =	vpop (erf)  }
0x61: {  	(erf) = vtanh.f32 v0;
	v0 =	vpop (erf)  }
0x62: {  	v0 =	vmul.f32 $3.141592740e+00, v0  }
0x63: {  	v3 =	vmul.f32 $1.436156650e+01, v3;
	v1 =	vmul.f32 $3.141592740e+00, v1;
	[tilespmem:s6+$0x9000] =	vst v2  }
0x64: {  	v2 =	vmul.f32 $1.436156650e+01, v4;
	[tilespmem:s6+$0x9100] =	vst v0;
	v0 =	vmul.f32 $1.436156650e+01, v5  }
0x65: {  	v4 =	vld [tilespmem:s11+$0x4010];
	(erf) = vtanh.f32 v3  }
0x66: {  	[tilespmem:s6+$0x9080] =	vst v1;
	(erf) = vtanh.f32 v2  }
0x67: {  	v1 =	vld [tilespmem:s11+$0x4090]  }
0x68: {  	v2 =	vld [tilespmem:s11+$0x4110];
	(erf) = vtanh.f32 v0;
	v0 =	vpop (erf)  }
0x69: {  	v0 =	vmul.f32 $3.141592740e+00, v0  }
0x6a: {  	v3 =	vmul.f32 $1.436156650e+01, v4;
	_ =	sdelay $0x1  }
0x6b: {  	v1 =	vmul.f32 $1.436156650e+01, v1  }
0x6c: {  	(erf) = vtanh.f32 v3;
	v2 =	vmul.f32 $1.436156650e+01, v2;
	[tilespmem:s2+$0x91B0] =	vst v0;
	v0 =	vpop (erf)  }
0x6d: {  	(erf) = vtanh.f32 v1;
	v0 =	vmul.f32 $3.141592740e+00, v0;
	v3 =	vpop (erf)  }
0x6e: {  	(erf) = vtanh.f32 v2;
	v2 =	vmul.f32 $3.141592740e+00, v3;
	v3 =	vpop (erf)  }
0x6f: {  	v1 =	vld [tilespmem:s17+$0x41C0];
	[tilespmem:s2+$0x9030] =	vst v0;
	v0 =	vmul.f32 $3.141592740e+00, v3;
	_ =	sdelay $0x3  }
0x70: {  	[tilespmem:s2+$0x9130] =	vst v0;
	v0 =	vpop (erf)  }
0x71: {  	v1 =	vmul.f32 $2.872313310e+01, v1;
	v0 =	vmul.f32 $3.141592740e+00, v0  }
0x72: {  	v3 =	vld [tilespmem:s17+$0x4040];
	[tilespmem:s2+$0x90B0] =	vst v2;
	v5 =	vpop (erf)  }
0x73: {  	v2 =	vld [tilespmem:s17+$0x40C0];
	(erf) = vtanh.f32 v1;
	v1 =	vmul.f32 $3.141592740e+00, v5  }
0x74: {  	v4 =	vld [tilespmem:s17+$0x4140]  }
0x75: {  	[tilespmem:s6+$0x9190] =	vst v0;
	v0 =	vpop (erf)  }
0x76: {  	v0 =	vmul.f32 $3.141592740e+00, v0  }
0x77: {  	v3 =	vmul.f32 $2.872313310e+01, v3;
	[tilespmem:s6+$0x9010] =	vst v1;
	v1 =	vpop (erf)  }
0x78: {  	v2 =	vmul.f32 $2.872313310e+01, v2;
	v5 =	vld [tilespmem:s11+$0x41A0];
	[tilespmem:s6+$0x9090] =	vst v0;
	v0 =	vmul.f32 $3.141592740e+00, v1  }
0x79: {  	v4 =	vmul.f32 $2.872313310e+01, v4;
	(erf) = vtanh.f32 v3;
	v1 =	vld [tilespmem:s11+$0x40A0]  }
0x7a: {  	v3 =	vld [tilespmem:s11+$0x4020];
	(erf) = vtanh.f32 v2;
	[tilespmem:s6+$0x9110] =	vst v0  }
0x7b: {  	(erf) = vtanh.f32 v4;
	v2 =	vld [tilespmem:s11+$0x4120];
	_ =	sdelay $0x1  }
0x7c: {  	v0 =	vmul.f32 $1.436156650e+01, v5  }
0x7d: {  	v1 =	vmul.f32 $1.436156650e+01, v1  }
0x7e: {  	v3 =	vmul.f32 $1.436156650e+01, v3  }
0x7f: {  	s14 =	simm.s32 $0x400;
	(erf) = vtanh.f32 v0;
	v2 =	vmul.f32 $1.436156650e+01, v2  }
0x80: {  	(erf) = vtanh.f32 v3;
	v3 =	vld [tilespmem:s14+$0x4000];
	v0 =	vpop (erf)  }
0x81: {  	v4 =	vld [tilespmem:s14+$0x4180];
	v0 =	vmul.f32 $1.570796370e+00, v0;
	(erf) = vtanh.f32 v1;
	v1 =	vpop (erf)  }
0x82: {  	v6 =	vpop (erf)  }
0x83: {  	v0 =	vadd.f32 $1.570796370e+00, v0;
	(erf) = vtanh.f32 v2;
	v2 =	vpop (erf)  }
0x84: {  	v1 =	vmul.f32 $1.570796370e+00, v1;
	v2 =	vmul.f32 $1.570796370e+00, v2  }
0x85: {  	v5 =	vld [tilespmem:s14+$0x4080];
	v3 =	vmul.f32 $1.436156650e+01, v3;
	[tilespmem:s2+$0xC180] =	vst v0;
	v0 =	vmul.f32 $1.570796370e+00, v6  }
0x86: {  	v4 =	vmul.f32 $1.436156650e+01, v4;
	v6 =	vld [tilespmem:s17+$0x41D0];
	v1 =	vadd.f32 $1.570796370e+00, v1  }
0x87: {  	v7 =	vld [tilespmem:s14+$0x4100];
	v0 =	vadd.f32 $1.570796370e+00, v0  }
0x88: {  	(erf) = vtanh.f32 v4;
	[tilespmem:s2+$0xC000] =	vst v1;
	v1 =	vadd.f32 $1.570796370e+00, v2;
	v2 =	vpop (erf)  }
0x89: {  	(erf) = vtanh.f32 v3;
	[tilespmem:s2+$0xC080] =	vst v0;
	v0 =	vmul.f32 $3.141592740e+00, v2;
	v3 =	vpop (erf)  }
0x8a: {  	v4 =	vmul.f32 $1.436156650e+01, v5;
	v5 =	vld [tilespmem:s17+$0x4050];
	[tilespmem:s2+$0xC100] =	vst v1;
	v1 =	vmul.f32 $3.141592740e+00, v3  }
0x8b: {  	v6 =	vmul.f32 $2.872313310e+01, v6;
	v2 =	vld [tilespmem:s17+$0x40D0]  }
0x8c: {  	(erf) = vtanh.f32 v4;
	v4 =	vld [tilespmem:s17+$0x4150];
	v3 =	vmul.f32 $1.436156650e+01, v7;
	[tilespmem:s6+$0x91A0] =	vst v0  }
0x8d: {  	(erf) = vtanh.f32 v6;
	v7 =	vld [tilespmem:s11+$0x41B0];
	v0 =	vpop (erf)  }
0x8e: {  	[tilespmem:s6+$0x9020] =	vst v1;
	(erf) = vtanh.f32 v3;
	v1 =	vpop (erf)  }
0x8f: {  	v3 =	vmul.f32 $2.872313310e+01, v5;
	v1 =	vmul.f32 $3.141592740e+00, v1  }
0x90: {  	s12 =	simm.s32 $0x8;
	v5 =	vld [tilespmem:s11+$0x4030];
	v0 =	vmul.f32 $3.141592740e+00, v0  }
0x91: {  	s12 =	smulhi.u32 $0xCCCCCCCD, s12;
	(erf) = vtanh.f32 v3;
	v3 =	vmul.f32 $2.872313310e+01, v4  }
0x92: {  	v2 =	vmul.f32 $2.872313310e+01, v2;
	[tilespmem:s6+$0x90A0] =	vst v0;
	v4 =	vmul.f32 $1.436156650e+01, v7  }
0x93: {  	s12 =	sshll.u32 s12, $0x5;
	v0 =	vld [tilespmem:s11+$0x40B0];
	[tilespmem:s6+$0x9120] =	vst v1;
	v1 =	vpop (erf)  }
0x94: {  	s12 =	sand.u32 $0x3FFFFE00, s12;
	(erf) = vtanh.f32 v2;
	v2 =	vld [tilespmem:s11+$0x4130];
	v1 =	vmul.f32 $3.141592740e+00, v1  }
0x95: {  	s12 =	sadd.s32 $0x400, s12;
	(erf) = vtanh.f32 v3;
	v5 =	vmul.f32 $1.436156650e+01, v5;
	v3 =	vpop (erf)  }
0x96: {  	(erf) = vtanh.f32 v4;
	v3 =	vmul.f32 $3.141592740e+00, v3;
	v4 =	vpop (erf);
	[tilespmem:s12+$0x9180] =	vst v1  }
0x97: {  	v1 =	vmul.f32 $3.141592740e+00, v4;
	v4 =	vld [tilespmem:s14+$0x4190]  }
0x98: {  	v0 =	vmul.f32 $1.436156650e+01, v0  }
0x99: {  	(erf) = vtanh.f32 v5;
	v5 =	vpop (erf);
	v2 =	vmul.f32 $1.436156650e+01, v2;
	[tilespmem:s12+$0x9080] =	vst v1  }
0x9a: {  	[tilespmem:s12+$0x9000] =	vst v3;
	v5 =	vmul.f32 $1.570796370e+00, v5;
	(erf) = vtanh.f32 v0;
	v3 =	vpop (erf);
	v0 =	vld [tilespmem:s14+$0x4090]  }
0x9b: {  	v6 =	vld [tilespmem:s14+$0x4010];
	v1 =	vmul.f32 $3.141592740e+00, v3  }
0x9c: {  	(erf) = vtanh.f32 v2;
	v2 =	vadd.f32 $1.570796370e+00, v5;
	v3 =	vpop (erf);
	v4 =	vmul.f32 $1.436156650e+01, v4  }
0x9d: {  	[tilespmem:s12+$0x9100] =	vst v1;
	v1 =	vmul.f32 $1.570796370e+00, v3;
	v3 =	vpop (erf)  }
0x9e: {  	[tilespmem:s2+$0xC190] =	vst v2;
	v5 =	vld [tilespmem:s14+$0x4110];
	v3 =	vmul.f32 $1.570796370e+00, v3  }
0x9f: {  	v2 =	vld [tilespmem:s17+$0x41E0];
	v7 =	vpop (erf);
	v1 =	vadd.f32 $1.570796370e+00, v1;
	v0 =	vmul.f32 $1.436156650e+01, v0  }
0xa0: {  	v6 =	vmul.f32 $1.436156650e+01, v6;
	(erf) = vtanh.f32 v4;
	v3 =	vadd.f32 $1.570796370e+00, v3;
	v4 =	vpop (erf)  }
0xa1: {  	[tilespmem:s2+$0xC010] =	vst v1;
	v4 =	vmul.f32 $3.141592740e+00, v4  }
0xa2: {  	(erf) = vtanh.f32 v6;
	[tilespmem:s2+$0xC090] =	vst v3  }
0xa3: {  	(erf) = vtanh.f32 v0;
	v0 =	vpop (erf);
	v3 =	vmul.f32 $1.436156650e+01, v5;
	[tilespmem:s6+$0x91B0] =	vst v4;
	v4 =	vld [tilespmem:s17+$0x40E0]  }
0xa4: {  	v1 =	vld [tilespmem:s17+$0x4060];
	v2 =	vmul.f32 $2.872313310e+01, v2;
	v0 =	vmul.f32 $3.141592740e+00, v0;
	v6 =	vpop (erf)  }
0xa5: {  	(erf) = vtanh.f32 v3;
	v3 =	vmul.f32 $3.141592740e+00, v6;
	v6 =	vpop (erf)  }
0xa6: {  	[tilespmem:s6+$0x9030] =	vst v0;
	v0 =	vmul.f32 $3.141592740e+00, v6  }
0xa7: {  	(erf) = vtanh.f32 v2;
	v2 =	vmul.f32 $1.570796370e+00, v7  }
0xa8: {  	[tilespmem:s6+$0x9130] =	vst v0;
	v0 =	vmul.f32 $2.872313310e+01, v4  }
0xa9: {  	v5 =	vld [tilespmem:s11+$0x41C0];
	v1 =	vmul.f32 $2.872313310e+01, v1;
	v2 =	vadd.f32 $1.570796370e+00, v2  }
0xaa: {  	v6 =	vld [tilespmem:s11+$0x4040];
	[tilespmem:s6+$0x90B0] =	vst v3  }
0xab: {  	v3 =	vld [tilespmem:s11+$0x40C0];
	v4 =	vpop (erf);
	(erf) = vtanh.f32 v1  }
0xac: {  	(erf) = vtanh.f32 v0;
	v0 =	vpop (erf)  }
0xad: {  	v1 =	vmul.f32 $3.141592740e+00, v4;
	[tilespmem:s2+$0xC110] =	vst v2;
	v0 =	vmul.f32 $3.141592740e+00, v0;
	v2 =	vpop (erf)  }
0xae: {  	v5 =	vmul.f32 $2.872313310e+01, v5;
	v2 =	vmul.f32 $3.141592740e+00, v2  }
0xaf: {  	v7 =	vld [tilespmem:s11+$0x4140];
	[tilespmem:s12+$0x9190] =	vst v1;
	v1 =	vmul.f32 $2.872313310e+01, v6  }
0xb0: {  	v4 =	vld [tilespmem:s17+$0x4160];
	(erf) = vtanh.f32 v5;
	v3 =	vmul.f32 $2.872313310e+01, v3;
	[tilespmem:s12+$0x9010] =	vst v0  }
0xb1: {  	v5 =	vld [tilespmem:s14+$0x41A0];
	(erf) = vtanh.f32 v1;
	[tilespmem:s12+$0x9090] =	vst v2;
	v0 =	vpop (erf)  }
0xb2: {  	(erf) = vtanh.f32 v3;
	v3 =	vld [tilespmem:s14+$0x40A0];
	v2 =	vpop (erf)  }
0xb3: {  	v1 =	vld [tilespmem:s14+$0x4020];
	v2 =	vmul.f32 $1.570796370e+00, v2  }
0xb4: {  	v6 =	vmul.f32 $2.872313310e+01, v7;
	v0 =	vmul.f32 $3.141592740e+00, v0  }
0xb5: {  	v2 =	vadd.f32 $1.570796370e+00, v2  }
0xb6: {  	(erf) = vtanh.f32 v6;
	[tilespmem:s12+$0x9110] =	vst v0;
	v0 =	vmul.f32 $2.872313310e+01, v4  }
0xb7: {  	v5 =	vmul.f32 $1.436156650e+01, v5;
	[tilespmem:s2+$0xC1A0] =	vst v2;
	v2 =	vmul.f32 $1.436156650e+01, v3  }
0xb8: {  	v6 =	vpop (erf);
	(erf) = vtanh.f32 v0;
	v0 =	vmul.f32 $1.436156650e+01, v1  }
0xb9: {  	s15 =	simm.s32 $0x600;
	v7 =	vpop (erf);
	v4 =	vld [tilespmem:s14+$0x4120];
	(erf) = vtanh.f32 v5  }
0xba: {  	v1 =	vpop (erf);
	(erf) = vtanh.f32 v0;
	v0 =	vld [tilespmem:s15+$0x4180]  }
0xbb: {  	v3 =	vld [tilespmem:s17+$0x41F0];
	(erf) = vtanh.f32 v2;
	v2 =	vpop (erf)  }
0xbc: {  	v1 =	vmul.f32 $1.570796370e+00, v1;
	v2 =	vmul.f32 $1.570796370e+00, v2;
	_ =	sdelay $0x1  }
0xbd: {  	v5 =	vld [tilespmem:s15+$0x4000];
	v1 =	vadd.f32 $1.570796370e+00, v1;
	v2 =	vadd.f32 $1.570796370e+00, v2  }
0xbe: {  	v4 =	vmul.f32 $1.436156650e+01, v4;
	v0 =	vmul.f32 $1.436156650e+01, v0  }
0xbf: {  	[tilespmem:s6+$0xC180] =	vst v1;
	v1 =	vmul.f32 $1.570796370e+00, v6;
	v9 =	vpop (erf);
	v3 =	vmul.f32 $2.872313310e+01, v3  }
0xc0: {  	(erf) = vtanh.f32 v4;
	v52 =	vld [tilespmem:s11+$0x41D0];
	v4 =	vmul.f32 $1.570796370e+00, v9;
	v6 =	vpop (erf)  }
0xc1: {  	v8 =	vld [tilespmem:s15+$0x4080];
	v6 =	vmul.f32 $1.570796370e+00, v6;
	(erf) = vtanh.f32 v3;
	[tilespmem:s6+$0xC000] =	vst v2;
	v2 =	vpop (erf)  }
0xc2: {  	v5 =	vmul.f32 $1.436156650e+01, v5;
	v4 =	vadd.f32 $1.570796370e+00, v4;
	(erf) = vtanh.f32 v0;
	v0 =	vpop (erf)  }
0xc3: {  	v3 =	vadd.f32 $1.570796370e+00, v6;
	v0 =	vmul.f32 $3.141592740e+00, v0  }
0xc4: {  	[tilespmem:s6+$0xC080] =	vst v4  }
0xc5: {  	v10 =	vld [tilespmem:s15+$0x4100];
	[tilespmem:s6+$0xC100] =	vst v3;
	v3 =	vmul.f32 $2.872313310e+01, v52  }
0xc6: {  	v6 =	vmul.f32 $1.436156650e+01, v8;
	v4 =	vld [tilespmem:s11+$0x40D0];
	(erf) = vtanh.f32 v5;
	v5 =	vpop (erf)  }
0xc7: {  	v8 =	vld [tilespmem:s11+$0x4050];
	[tilespmem:s12+$0x91A0] =	vst v0;
	v0 =	vpop (erf)  }
0xc8: {  	(erf) = vtanh.f32 v6;
	v0 =	vmul.f32 $3.141592740e+00, v0  }
0xc9: {  	(erf) = vtanh.f32 v3;
	v3 =	vpop (erf)  }
0xca: {  	v5 =	vmul.f32 $3.141592740e+00, v5;
	[tilespmem:s12+$0x90A0] =	vst v0;
	v0 =	vmul.f32 $3.141592740e+00, v3  }
0xcb: {  	v53 =	vmul.f32 $1.436156650e+01, v10;
	v3 =	vmul.f32 $2.872313310e+01, v4  }
0xcc: {  	v54 =	vld [tilespmem:s11+$0x4150];
	[tilespmem:s12+$0x9020] =	vst v5;
	v5 =	vmul.f32 $2.872313310e+01, v8  }
0xcd: {  	(erf) = vtanh.f32 v53;
	v6 =	vld [tilespmem:s14+$0x41B0]  }
0xce: {  	s18 =	simm.s32 $0xC;
	v8 =	vld [tilespmem:s14+$0x4030];
	(erf) = vtanh.f32 v5;
	[tilespmem:s12+$0x9120] =	vst v0;
	v0 =	vpop (erf)  }
0xcf: {  	s16 =	smulhi.u32 $0xCCCCCCCD, s18;
	v4 =	vmul.f32 $1.570796370e+00, v7;
	(erf) = vtanh.f32 v3;
	v3 =	vpop (erf)  }
0xd0: {  	v7 =	vld [tilespmem:s14+$0x40B0];
	v3 =	vmul.f32 $3.141592740e+00, v3  }
0xd1: {  	s16 =	sshll.u32 s16, $0x5;
	v1 =	vadd.f32 $1.570796370e+00, v1;
	v5 =	vmul.f32 $2.872313310e+01, v54;
	v55 =	vld [tilespmem:s14+$0x4130]  }
0xd2: {  	s16 =	sand.u32 $0x3FFFFE00, s16;
	v2 =	vmul.f32 $1.570796370e+00, v2;
	v6 =	vmul.f32 $1.436156650e+01, v6  }
0xd3: {  	s16 =	sadd.s32 $0x600, s16;
	[tilespmem:s2+$0xC020] =	vst v1;
	v1 =	vadd.f32 $1.570796370e+00, v4;
	(erf) = vtanh.f32 v5;
	v5 =	vmul.f32 $1.436156650e+01, v8;
	v4 =	vpop (erf)  }
0xd4: {  	(erf) = vtanh.f32 v6;
	v6 =	vld [tilespmem:s17+$0x4070];
	v4 =	vmul.f32 $3.141592740e+00, v4;
	[tilespmem:s16+$0x9180] =	vst v3;
	v3 =	vpop (erf)  }
0xd5: {  	[tilespmem:s2+$0xC0A0] =	vst v1;
	v7 =	vmul.f32 $1.436156650e+01, v7;
	v1 =	vmul.f32 $3.141592740e+00, v3;
	v3 =	vld [tilespmem:s15+$0x4190]  }
0xd6: {  	(erf) = vtanh.f32 v5;
	v9 =	vmul.f32 $1.436156650e+01, v55;
	[tilespmem:s16+$0x9000] =	vst v4  }
0xd7: {  	v56 =	vld [tilespmem:s15+$0x4010];
	v5 =	vpop (erf);
	(erf) = vtanh.f32 v7  }
0xd8: {  	v2 =	vadd.f32 $1.570796370e+00, v2;
	v8 =	vld [tilespmem:s17+$0x40F0];
	v4 =	vpop (erf);
	v5 =	vmul.f32 $1.570796370e+00, v5;
	(erf) = vtanh.f32 v9;
	[tilespmem:s16+$0x9080] =	vst v1  }
0xd9: {  	v6 =	vmul.f32 $2.872313310e+01, v6;
	v1 =	vmul.f32 $3.141592740e+00, v4;
	v4 =	vld [tilespmem:s15+$0x4090]  }
0xda: {  	[tilespmem:s2+$0xC120] =	vst v2;
	v7 =	vpop (erf);
	v5 =	vadd.f32 $1.570796370e+00, v5;
	v3 =	vmul.f32 $1.436156650e+01, v3  }
0xdb: {  	[tilespmem:s16+$0x9100] =	vst v1;
	v1 =	vmul.f32 $1.570796370e+00, v7;
	v7 =	vpop (erf);
	(erf) = vtanh.f32 v6  }
0xdc: {  	v2 =	vmul.f32 $1.436156650e+01, v56;
	v57 =	vld [tilespmem:s15+$0x4110];
	v7 =	vmul.f32 $1.570796370e+00, v7;
	[tilespmem:s6+$0xC190] =	vst v5  }
0xdd: {  	v5 =	vmul.f32 $2.872313310e+01, v8;
	v6 =	vpop (erf);
	v1 =	vadd.f32 $1.570796370e+00, v1;
	v8 =	vld [tilespmem:s11+$0x41E0];
	(erf) = vtanh.f32 v3  }
0xde: {  	v7 =	vadd.f32 $1.570796370e+00, v7;
	v4 =	vmul.f32 $1.436156650e+01, v4;
	v3 =	vpop (erf);
	(erf) = vtanh.f32 v2  }
0xdf: {  	[tilespmem:s6+$0xC010] =	vst v1;
	v2 =	vmul.f32 $1.570796370e+00, v6;
	v3 =	vmul.f32 $3.141592740e+00, v3;
	v6 =	vpop (erf)  }
0xe0: {  	[tilespmem:s6+$0xC090] =	vst v7;
	(erf) = vtanh.f32 v4;
	v4 =	vmul.f32 $3.141592740e+00, v6;
	v59 =	vpop (erf)  }
0xe1: {  	v1 =	vld [tilespmem:s11+$0x4060];
	v7 =	vmul.f32 $1.436156650e+01, v57;
	[tilespmem:s12+$0x91B0] =	vst v3;
	v60 =	vpop (erf)  }
0xe2: {  	v8 =	vmul.f32 $2.872313310e+01, v8;
	v3 =	vld [tilespmem:s11+$0x40E0];
	[tilespmem:s12+$0x9030] =	vst v4;
	v4 =	vmul.f32 $3.141592740e+00, v60  }
0xe3: {  	(erf) = vtanh.f32 v7;
	v7 =	vmul.f32 $3.141592740e+00, v59  }
0xe4: {  	v6 =	vld [tilespmem:s14+$0x41C0]  }
0xe5: {  	v2 =	vadd.f32 $1.570796370e+00, v2;
	(erf) = vtanh.f32 v8;
	v8 =	vld [tilespmem:s14+$0x4040];
	[tilespmem:s12+$0x90B0] =	vst v7  }
0xe6: {  	v1 =	vmul.f32 $2.872313310e+01, v1;
	v61 =	vld [tilespmem:s14+$0x40C0];
	[tilespmem:s12+$0x9130] =	vst v4;
	v4 =	vpop (erf)  }
0xe7: {  	(erf) = vtanh.f32 v5;
	v3 =	vmul.f32 $2.872313310e+01, v3;
	v5 =	vpop (erf)  }
0xe8: {  	(erf) = vtanh.f32 v1;
	v1 =	vmul.f32 $3.141592740e+00, v5  }
0xe9: {  	v58 =	vld [tilespmem:s17+$0x4170];
	[tilespmem:s6+$0xC110] =	vst v2;
	v6 =	vmul.f32 $2.872313310e+01, v6;
	(erf) = vtanh.f32 v3;
	v2 =	vpop (erf)  }
0xea: {  	v62 =	vld [tilespmem:s14+$0x4140];
	v3 =	vmul.f32 $1.570796370e+00, v4;
	v2 =	vmul.f32 $3.141592740e+00, v2  }
0xeb: {  	v4 =	vld [tilespmem:s11+$0x4160];
	v5 =	vmul.f32 $2.872313310e+01, v8;
	v8 =	vmul.f32 $2.872313310e+01, v61  }
0xec: {  	v0 =	vmul.f32 $1.570796370e+00, v0;
	[tilespmem:s16+$0x9190] =	vst v1;
	v1 =	vpop (erf)  }
0xed: {  	(erf) = vtanh.f32 v6;
	v6 =	vld [tilespmem:s15+$0x41A0];
	v1 =	vmul.f32 $3.141592740e+00, v1  }
0xee: {  	v0 =	vadd.f32 $1.570796370e+00, v0;
	v7 =	vmul.f32 $2.872313310e+01, v58;
	[tilespmem:s16+$0x9010] =	vst v2;
	(erf) = vtanh.f32 v5;
	v2 =	vpop (erf)  }
0xef: {  	v63 =	vmul.f32 $2.872313310e+01, v62;
	(erf) = vtanh.f32 v8;
	v8 =	vpop (erf)  }
0xf0: {  	[tilespmem:s2+$0xC1B0] =	vst v0;
	v0 =	vadd.f32 $1.570796370e+00, v3;
	v4 =	vmul.f32 $2.872313310e+01, v4;
	v3 =	vmul.f32 $1.570796370e+00, v8  }
0xf1: {  	v5 =	vld [tilespmem:s15+$0x4020];
	v2 =	vmul.f32 $3.141592740e+00, v2;
	(erf) = vtanh.f32 v63;
	[tilespmem:s16+$0x9090] =	vst v1;
	v1 =	vpop (erf)  }
0xf2: {  	[tilespmem:s2+$0xC030] =	vst v0;
	v6 =	vmul.f32 $1.436156650e+01, v6;
	v0 =	vmul.f32 $1.570796370e+00, v1;
	v1 =	vld [tilespmem:s15+$0x40A0]  }
0xf3: {  	(erf) = vtanh.f32 v7;
	[tilespmem:s16+$0x9110] =	vst v2  }
0xf4: {  	(erf) = vtanh.f32 v4;
	v7 =	vadd.f32 $1.570796370e+00, v3;
	v4 =	vld [tilespmem:s15+$0x4120];
	v3 =	vpop (erf)  }
0xf5: {  	v3 =	vmul.f32 $1.570796370e+00, v3;
	v2 =	vpop (erf)  }
0xf6: {  	s19 =	simm.s32 $0x2000;
	s17 =	simm.s32 $0xC;
	v5 =	vmul.f32 $1.436156650e+01, v5;
	(erf) = vtanh.f32 v6;
	[tilespmem:s6+$0xC1A0] =	vst v7;
	v6 =	vpop (erf)  }
.LBB2_3:
0xf7: {  	s20 =	sshra.s32 s19, $0x2;
	s17 =	sadd.s32 $0x4, s17;
	v1 =	vmul.f32 $1.436156650e+01, v1;
	v11 =	vmul.f32 $1.570796370e+00, v6;
	v3 =	vadd.f32 $1.570796370e+00, v3;
	v7 =	vld [tilespmem:s11+$0x41F0]  }
0xf8: {  	v2 =	vmul.f32 $1.570796370e+00, v2;
	v0 =	vadd.f32 $1.570796370e+00, v0;
	v8 =	vld [tilespmem:s20+$0x4180];
	p1 =	slt.u32 s17, $0x4C;
	(erf) = vtanh.f32 v5  }
0xf9: {  	v5 =	vld [tilespmem:s20+$0x4000];
	v4 =	vmul.f32 $1.436156650e+01, v4;
	(erf) = vtanh.f32 v1;
	v10 =	vadd.f32 $1.570796370e+00, v11;
	v6 =	vpop (erf);
	[tilespmem:s6+$0xC020] =	vst v3  }
0xfa: {  	v2 =	vadd.f32 $1.570796370e+00, v2;
	v3 =	vld [tilespmem:s20+$0x4080];
	v6 =	vmul.f32 $1.570796370e+00, v6;
	v9 =	vpop (erf);
	[tilespmem:s2+$0xC0B0] =	vst v0  }
0xfb: {  	v0 =	vld [tilespmem:s20+$0x4100];
	(erf) = vtanh.f32 v4;
	v4 =	vmul.f32 $1.570796370e+00, v9;
	[tilespmem:s12+$0xC180] =	vst v10;
	v1 =	vpop (erf)  }
0xfc: {  	v6 =	vadd.f32 $1.570796370e+00, v6;
	v1 =	vmul.f32 $1.570796370e+00, v1;
	v9 =	vld [tilespmem:s14+$0x41D0];
	[tilespmem:s6+$0xC0A0] =	vst v2;
	v2 =	vmul.f32 $2.872313310e+01, v7;
	v7 =	vpop (erf)  }
0xfd: {  	v8 =	vmul.f32 $1.436156650e+01, v8;
	v4 =	vadd.f32 $1.570796370e+00, v4;
	v10 =	vld [tilespmem:s11+$0x4070];
	v7 =	vmul.f32 $1.570796370e+00, v7  }
0xfe: {  	v5 =	vmul.f32 $1.436156650e+01, v5;
	[tilespmem:s12+$0xC000] =	vst v6;
	v12 =	vadd.f32 $1.570796370e+00, v1;
	v6 =	vld [tilespmem:s11+$0x40F0];
	v11 =	vpop (erf);
	(erf) = vtanh.f32 v2  }
0xff: {  	v13 =	vmul.f32 $1.436156650e+01, v3;
	(erf) = vtanh.f32 v8;
	v3 =	vpop (erf);
	v8 =	vld [tilespmem:s14+$0x4050];
	[tilespmem:s12+$0xC080] =	vst v4;
	v4 =	vadd.f32 $1.570796370e+00, v7  }
0x100: {  	v0 =	vmul.f32 $1.436156650e+01, v0;
	v3 =	vmul.f32 $3.141592740e+00, v3;
	v7 =	vld [tilespmem:s14+$0x40D0];
	[tilespmem:s12+$0xC100] =	vst v12  }
0x101: {  	(erf) = vtanh.f32 v5;
	v1 =	vpop (erf);
	v5 =	vld [tilespmem:s14+$0x4150];
	v9 =	vmul.f32 $2.872313310e+01, v9;
	[tilespmem:s2+$0xC130] =	vst v4;
	s2 =	smov.u32 s6;
	s6 =	smov.u32 s12;
	s12 =	smov.u32 s16  }
0x102: {  	(erf) = vtanh.f32 v13;
	v1 =	vmul.f32 $3.141592740e+00, v1;
	[tilespmem:s12+$0x91A0] =	vst v3;
	v2 =	vpop (erf)  }
0x103: {  	v2 =	vmul.f32 $3.141592740e+00, v2;
	v3 =	vld [tilespmem:s15+$0x41B0];
	(erf) = vtanh.f32 v9  }
0x104: {  	(erf) = vtanh.f32 v0;
	[tilespmem:s12+$0x9020] =	vst v1;
	v0 =	vpop (erf);
	v8 =	vmul.f32 $2.872313310e+01, v8  }
0x105: {  	s18 =	sadd.s32 $0x4, s18;
	v4 =	vld [tilespmem:s15+$0x4030];
	[tilespmem:s12+$0x90A0] =	vst v2;
	v0 =	vmul.f32 $3.141592740e+00, v0;
	v9 =	vmul.f32 $2.872313310e+01, v7  }
0x106: {  	s16 =	smulhi.u32 $0xCCCCCCCD, s18;
	v7 =	vld [tilespmem:s15+$0x40B0];
	v5 =	vmul.f32 $2.872313310e+01, v5;
	(erf) = vtanh.f32 v8  }
0x107: {  	[tilespmem:s12+$0x9120] =	vst v0;
	(erf) = vtanh.f32 v9;
	v0 =	vmul.f32 $1.570796370e+00, v11;
	v1 =	vpop (erf)  }
0x108: {  	s16 =	sshll.u32 s16, $0x5;
	v2 =	vpop (erf);
	v8 =	vld [tilespmem:s15+$0x4130];
	v3 =	vmul.f32 $1.436156650e+01, v3;
	v1 =	vmul.f32 $1.570796370e+00, v1  }
0x109: {  	s16 =	sand.u32 $0x3FFFFE00, s16;
	v9 =	vmul.f32 $3.141592740e+00, v2;
	(erf) = vtanh.f32 v5;
	v0 =	vadd.f32 $1.570796370e+00, v0  }
0x10a: {  	s16 =	sadd.s32 s20, s16;
	v5 =	vpop (erf);
	v11 =	vmul.f32 $1.436156650e+01, v4;
	(erf) = vtanh.f32 v3;
	v12 =	vadd.f32 $1.570796370e+00, v1  }
0x10b: {  	v3 =	vmul.f32 $3.141592740e+00, v5;
	[tilespmem:s16+$0x9180] =	vst v9;
	v2 =	vpop (erf);
	v5 =	vmul.f32 $1.436156650e+01, v7  }
0x10c: {  	v2 =	vmul.f32 $3.141592740e+00, v2;
	v7 =	vld [tilespmem:s20+$0x4190];
	(erf) = vtanh.f32 v11;
	v4 =	vpop (erf);
	[tilespmem:s2+$0xC1B0] =	vst v12  }
0x10d: {  	[tilespmem:s16+$0x9000] =	vst v3;
	v1 =	vpop (erf);
	v3 =	vmul.f32 $1.436156650e+01, v8;
	v9 =	vmul.f32 $1.570796370e+00, v4  }
0x10e: {  	v8 =	vld [tilespmem:s20+$0x4010];
	[tilespmem:s16+$0x9080] =	vst v2;
	v11 =	vmul.f32 $3.141592740e+00, v1;
	(erf) = vtanh.f32 v5  }
0x10f: {  	v5 =	vmul.f32 $2.872313310e+01, v10;
	v2 =	vld [tilespmem:s20+$0x4090];
	(erf) = vtanh.f32 v3;
	v3 =	vadd.f32 $1.570796370e+00, v9;
	v4 =	vpop (erf);
	[tilespmem:s2+$0xC120] =	vst v0  }
0x110: {  	[tilespmem:s16+$0x9100] =	vst v11;
	v0 =	vmul.f32 $1.570796370e+00, v4;
	v1 =	vpop (erf);
	v4 =	vmul.f32 $2.872313310e+01, v6;
	v6 =	vld [tilespmem:s11+$0x4170];
	s11 =	smov.u32 s14;
	s14 =	smov.u32 s15;
	s15 =	smov.u32 s20  }
0x111: {  	v9 =	vld [tilespmem:s15+$0x4110];
	v11 =	vmul.f32 $1.436156650e+01, v7;
	v1 =	vmul.f32 $1.570796370e+00, v1;
	[tilespmem:s6+$0xC190] =	vst v3  }
0x112: {  	v12 =	vadd.f32 $1.570796370e+00, v0;
	v3 =	vld [tilespmem:s11+$0x41E0];
	v10 =	vpop (erf);
	(erf) = vtanh.f32 v5  }
0x113: {  	v5 =	vmul.f32 $1.436156650e+01, v8;
	(erf) = vtanh.f32 v11;
	v7 =	vpop (erf);
	v1 =	vadd.f32 $1.570796370e+00, v1  }
0x114: {  	v2 =	vmul.f32 $1.436156650e+01, v2;
	v7 =	vmul.f32 $3.141592740e+00, v7;
	[tilespmem:s6+$0xC010] =	vst v12  }
0x115: {  	(erf) = vtanh.f32 v5;
	v0 =	vpop (erf);
	v5 =	vld [tilespmem:s11+$0x4060];
	[tilespmem:s6+$0xC090] =	vst v1;
	v1 =	vmul.f32 $1.570796370e+00, v10  }
0x116: {  	v8 =	vmul.f32 $1.436156650e+01, v9;
	(erf) = vtanh.f32 v2;
	[tilespmem:s12+$0x91B0] =	vst v7;
	v2 =	vld [tilespmem:s11+$0x40E0]  }
0x117: {  	v0 =	vmul.f32 $3.141592740e+00, v0;
	v7 =	vld [tilespmem:s14+$0x41C0];
	v9 =	vpop (erf);
	v3 =	vmul.f32 $2.872313310e+01, v3  }
0x118: {  	v1 =	vadd.f32 $1.570796370e+00, v1;
	(erf) = vtanh.f32 v8;
	v8 =	vmul.f32 $3.141592740e+00, v9;
	v9 =	vpop (erf)  }
0x119: {  	[tilespmem:s12+$0x9030] =	vst v0;
	v0 =	vmul.f32 $3.141592740e+00, v9;
	(erf) = vtanh.f32 v3  }
0x11a: {  	v6 =	vmul.f32 $2.872313310e+01, v6;
	v3 =	vld [tilespmem:s14+$0x4040];
	[tilespmem:s12+$0x90B0] =	vst v8;
	v5 =	vmul.f32 $2.872313310e+01, v5  }
0x11b: {  	v8 =	vld [tilespmem:s14+$0x40C0];
	[tilespmem:s12+$0x9130] =	vst v0;
	v10 =	vmul.f32 $2.872313310e+01, v2;
	v2 =	vpop (erf);
	(erf) = vtanh.f32 v4  }
0x11c: {  	v4 =	vpop (erf);
	v9 =	vld [tilespmem:s14+$0x4140];
	v7 =	vmul.f32 $2.872313310e+01, v7;
	[tilespmem:s6+$0xC110] =	vst v1;
	(erf) = vtanh.f32 v5  }
0x11d: {  	v5 =	vmul.f32 $3.141592740e+00, v4;
	v4 =	vld [tilespmem:s11+$0x4160];
	(erf) = vtanh.f32 v10  }
0x11e: {  	v2 =	vmul.f32 $1.570796370e+00, v2;
	v0 =	vpop (erf);
	(erf) = vtanh.f32 v7  }
0x11f: {  	v10 =	vmul.f32 $3.141592740e+00, v0;
	[tilespmem:s16+$0x9190] =	vst v5;
	v1 =	vpop (erf);
	v11 =	vmul.f32 $2.872313310e+01, v3  }
0x120: {  	v1 =	vmul.f32 $3.141592740e+00, v1;
	v5 =	vld [tilespmem:s15+$0x41A0];
	v7 =	vmul.f32 $2.872313310e+01, v8  }
0x121: {  	v2 =	vadd.f32 $1.570796370e+00, v2;
	[tilespmem:s16+$0x9010] =	vst v10;
	v0 =	vpop (erf);
	v8 =	vmul.f32 $2.872313310e+01, v9;
	(erf) = vtanh.f32 v11  }
0x122: {  	v9 =	vld [tilespmem:s15+$0x4020];
	[tilespmem:s16+$0x9090] =	vst v1;
	v10 =	vmul.f32 $3.141592740e+00, v0;
	(erf) = vtanh.f32 v7;
	v3 =	vpop (erf)  }
.Ltmp0:
0x123: {  	v1 =	vld [tilespmem:s15+$0x40A0];
	(erf) = vtanh.f32 v8;
	v3 =	vmul.f32 $1.570796370e+00, v3;
	[tilespmem:s2+$0xC030] =	vst v2;
	(pc) =	sbr.rel @p1 .LBB2_3-.Ltmp0, $4  }
0x124: {  	v7 =	vmul.f32 $2.872313310e+01, v4;
	[tilespmem:s16+$0x9110] =	vst v10;
	v0 =	vpop (erf);
	(erf) = vtanh.f32 v6  }
0x125: {  	v4 =	vld [tilespmem:s15+$0x4120];
	v10 =	vmul.f32 $1.436156650e+01, v5;
	v8 =	vadd.f32 $1.570796370e+00, v3;
	v2 =	vpop (erf);
	v0 =	vmul.f32 $1.570796370e+00, v0  }
0x126: {  	v3 =	vmul.f32 $1.570796370e+00, v2;
	v2 =	vpop (erf);
	(erf) = vtanh.f32 v7  }
0x127: {  	s19 =	sadd.s32 $0x800, s19;
	v5 =	vmul.f32 $1.436156650e+01, v9;
	(erf) = vtanh.f32 v10;
	v6 =	vpop (erf);
	[tilespmem:s6+$0xC1A0] =	vst v8  }
0x128: {  	_ = 	snop  }
0x129: {  	v1 =	vmul.f32 $1.436156650e+01, v1;
	v6 =	vmul.f32 $1.570796370e+00, v6  }
0x12a: {  	(erf) = vtanh.f32 v5;
	v4 =	vmul.f32 $1.436156650e+01, v4;
	v33 =	vpop (erf)  }
0x12b: {  	(erf) = vtanh.f32 v1;
	v1 =	vmul.f32 $1.570796370e+00, v33  }
0x12c: {  	v34 =	vadd.f32 $1.570796370e+00, v6;
	v35 =	vpop (erf)  }
0x12d: {  	(erf) = vtanh.f32 v4;
	v36 =	vmul.f32 $1.570796370e+00, v35  }
0x12e: {  	v37 =	vld [tilespmem:s11+$0x41F0];
	[tilespmem:s12+$0xC180] =	vst v34;
	v38 =	vpop (erf);
	v7 =	vadd.f32 $1.570796370e+00, v1  }
0x12f: {  	v5 =	vmul.f32 $1.570796370e+00, v38;
	v8 =	vld [tilespmem:s14+$0x41D0];
	v4 =	vadd.f32 $1.570796370e+00, v36;
	v1 =	vpop (erf)  }
0x130: {  	[tilespmem:s12+$0xC000] =	vst v7;
	v39 =	vpop (erf)  }
0x131: {  	v5 =	vadd.f32 $1.570796370e+00, v5;
	v10 =	vld [tilespmem:s14+$0x4050];
	[tilespmem:s12+$0xC080] =	vst v4;
	v9 =	vpop (erf)  }
0x132: {  	v41 =	vld [tilespmem:s14+$0x40D0];
	v40 =	vmul.f32 $3.141592740e+00, v9  }
0x133: {  	v6 =	vmul.f32 $2.872313310e+01, v37;
	[tilespmem:s12+$0xC100] =	vst v5;
	v42 =	vpop (erf)  }
0x134: {  	v11 =	vld [tilespmem:s14+$0x4150];
	v8 =	vmul.f32 $2.872313310e+01, v8;
	v5 =	vmul.f32 $3.141592740e+00, v42;
	v43 =	vpop (erf);
	[tilespmem:s16+$0x91A0] =	vst v40  }
0x135: {  	(erf) = vtanh.f32 v6;
	v4 =	vmul.f32 $3.141592740e+00, v43;
	v44 =	vld [tilespmem:s15+$0x41B0]  }
0x136: {  	(erf) = vtanh.f32 v8;
	[tilespmem:s16+$0x9020] =	vst v5;
	v45 =	vpop (erf);
	v46 =	vmul.f32 $2.872313310e+01, v10  }
0x137: {  	v47 =	vld [tilespmem:s15+$0x4030];
	[tilespmem:s16+$0x90A0] =	vst v4;
	v48 =	vmul.f32 $3.141592740e+00, v45;
	v49 =	vmul.f32 $2.872313310e+01, v41  }
0x138: {  	v50 =	vld [tilespmem:s15+$0x40B0];
	(erf) = vtanh.f32 v46  }
0x139: {  	v51 =	vmul.f32 $2.872313310e+01, v11;
	[tilespmem:s16+$0x9120] =	vst v48;
	(erf) = vtanh.f32 v49  }
0x13a: {  	v4 =	vld [tilespmem:s15+$0x4130];
	v52 =	vmul.f32 $1.436156650e+01, v44  }
0x13b: {  	(erf) = vtanh.f32 v51  }
0x13c: {  	v53 =	vmul.f32 $1.436156650e+01, v47;
	(erf) = vtanh.f32 v52  }
0x13d: {  	v54 =	vmul.f32 $1.436156650e+01, v50  }
0x13e: {  	v55 =	vmul.f32 $1.570796370e+00, v2;
	v2 =	vpop (erf);
	(erf) = vtanh.f32 v53  }
0x13f: {  	v56 =	vpop (erf);
	v4 =	vmul.f32 $1.436156650e+01, v4;
	(erf) = vtanh.f32 v54  }
0x140: {  	v3 =	vadd.f32 $1.570796370e+00, v3;
	v57 =	vmul.f32 $1.570796370e+00, v56  }
0x141: {  	v58 =	vadd.f32 $1.570796370e+00, v55;
	(erf) = vtanh.f32 v4;
	v59 =	vpop (erf)  }
0x142: {  	[tilespmem:s6+$0xC020] =	vst v3;
	v60 =	vadd.f32 $1.570796370e+00, v57;
	v4 =	vmul.f32 $1.570796370e+00, v59;
	v61 =	vpop (erf)  }
0x143: {  	v62 =	vld [tilespmem:s11+$0x4070];
	[tilespmem:s6+$0xC0A0] =	vst v58;
	v5 =	vmul.f32 $1.570796370e+00, v61  }
0x144: {  	v63 =	vld [tilespmem:s11+$0x40F0];
	[tilespmem:s12+$0xC190] =	vst v60;
	v16 =	vpop (erf);
	v15 =	vadd.f32 $1.570796370e+00, v4  }
0x145: {  	v17 =	vld [tilespmem:s14+$0x41E0];
	v5 =	vadd.f32 $1.570796370e+00, v5;
	v18 =	vpop (erf)  }
0x146: {  	[tilespmem:s12+$0xC010] =	vst v15;
	v10 =	vmul.f32 $3.141592740e+00, v18  }
0x147: {  	v19 =	vpop (erf);
	v20 =	vld [tilespmem:s14+$0x4060];
	[tilespmem:s12+$0xC090] =	vst v5  }
0x148: {  	v5 =	vld [tilespmem:s14+$0x40E0];
	v3 =	vmul.f32 $3.141592740e+00, v19;
	v21 =	vpop (erf);
	[tilespmem:s16+$0x91B0] =	vst v10  }
0x149: {  	v6 =	vmul.f32 $2.872313310e+01, v62;
	v10 =	vmul.f32 $3.141592740e+00, v21;
	v12 =	vld [tilespmem:s15+$0x41C0]  }
0x14a: {  	v8 =	vmul.f32 $2.872313310e+01, v63;
	v4 =	vmul.f32 $2.872313310e+01, v17;
	v13 =	vpop (erf);
	[tilespmem:s16+$0x9030] =	vst v3  }
0x14b: {  	(erf) = vtanh.f32 v6;
	v22 =	vmul.f32 $3.141592740e+00, v13;
	v23 =	vld [tilespmem:s15+$0x4040];
	[tilespmem:s16+$0x90B0] =	vst v10  }
0x14c: {  	(erf) = vtanh.f32 v4;
	v24 =	vmul.f32 $2.872313310e+01, v20;
	v10 =	vld [tilespmem:s15+$0x40C0]  }
0x14d: {  	(erf) = vtanh.f32 v8;
	[tilespmem:s16+$0x9130] =	vst v22;
	v25 =	vmul.f32 $2.872313310e+01, v5  }
0x14e: {  	v26 =	vld [tilespmem:s15+$0x4140];
	(erf) = vtanh.f32 v24;
	v27 =	vmul.f32 $2.872313310e+01, v12  }
0x14f: {  	(erf) = vtanh.f32 v25  }
0x150: {  	v28 =	vmul.f32 $2.872313310e+01, v23;
	(erf) = vtanh.f32 v27  }
0x151: {  	v29 =	vmul.f32 $2.872313310e+01, v10  }
0x152: {  	(erf) = vtanh.f32 v28  }
0x153: {  	v5 =	vmul.f32 $2.872313310e+01, v26;
	(erf) = vtanh.f32 v29  }
0x154: {  	v3 =	vpop (erf)  }
0x155: {  	v30 =	vpop (erf);
	(erf) = vtanh.f32 v5  }
0x156: {  	v4 =	vpop (erf)  }
0x157: {  	v31 =	vmul.f32 $1.570796370e+00, v39;
	v32 =	vpop (erf)  }
0x158: {  	v33 =	vmul.f32 $1.570796370e+00, v16;
	v34 =	vpop (erf)  }
0x159: {  	v5 =	vadd.f32 $1.570796370e+00, v31;
	v6 =	vmul.f32 $1.570796370e+00, v30;
	v35 =	vpop (erf)  }
0x15a: {  	v8 =	vadd.f32 $1.570796370e+00, v33;
	v10 =	vmul.f32 $1.570796370e+00, v35  }
0x15b: {  	[tilespmem:s6+$0xC120] =	vst v5;
	v36 =	vadd.f32 $1.570796370e+00, v6;
	v37 =	vpop (erf)  }
0x15c: {  	[tilespmem:s12+$0xC110] =	vst v8;
	v38 =	vld [tilespmem:s11+$0x4170];
	v6 =	vmul.f32 $1.570796370e+00, v37;
	v40 =	vpop (erf);
	v39 =	vadd.f32 $1.570796370e+00, v10  }
0x15d: {  	v41 =	vld [tilespmem:s14+$0x4160];
	[tilespmem:s12+$0xC1A0] =	vst v36;
	v42 =	vmul.f32 $1.570796370e+00, v40  }
0x15e: {  	v43 =	vld [tilespmem:s14+$0x41F0];
	v44 =	vpop (erf);
	v6 =	vadd.f32 $1.570796370e+00, v6;
	[tilespmem:s16+$0xC180] =	vst v39  }
0x15f: {  	v8 =	vmul.f32 $1.570796370e+00, v44;
	v5 =	vadd.f32 $1.570796370e+00, v42;
	v45 =	vld [tilespmem:s15+$0x41D0]  }
0x160: {  	[tilespmem:s16+$0xC000] =	vst v6  }
0x161: {  	v46 =	vmul.f32 $2.872313310e+01, v38;
	v8 =	vadd.f32 $1.570796370e+00, v8;
	v47 =	vld [tilespmem:s15+$0x4050];
	[tilespmem:s16+$0xC080] =	vst v5  }
0x162: {  	v48 =	vmul.f32 $2.872313310e+01, v41;
	v49 =	vld [tilespmem:s15+$0x40D0]  }
0x163: {  	(erf) = vtanh.f32 v46;
	v50 =	vmul.f32 $2.872313310e+01, v43;
	[tilespmem:s16+$0xC100] =	vst v8  }
0x164: {  	(erf) = vtanh.f32 v48;
	v51 =	vld [tilespmem:s15+$0x4150];
	v52 =	vmul.f32 $2.872313310e+01, v45  }
0x165: {  	(erf) = vtanh.f32 v50  }
0x166: {  	v53 =	vmul.f32 $2.872313310e+01, v47;
	(erf) = vtanh.f32 v52  }
0x167: {  	v54 =	vmul.f32 $2.872313310e+01, v49  }
0x168: {  	(erf) = vtanh.f32 v53  }
0x169: {  	v5 =	vmul.f32 $2.872313310e+01, v51;
	(erf) = vtanh.f32 v54;
	_ =	sdelay $0x1  }
0x16a: {  	(erf) = vtanh.f32 v5  }
0x16b: {  	v55 =	vpop (erf)  }
0x16c: {  	v56 =	vpop (erf)  }
0x16d: {  	v57 =	vpop (erf)  }
0x16e: {  	v7 =	vmul.f32 $1.570796370e+00, v32;
	v58 =	vpop (erf)  }
0x16f: {  	v10 =	vmul.f32 $1.570796370e+00, v58  }
0x170: {  	v9 =	vmul.f32 $1.570796370e+00, v34;
	v7 =	vadd.f32 $1.570796370e+00, v7;
	v59 =	vpop (erf)  }
0x171: {  	v11 =	vmul.f32 $1.570796370e+00, v59;
	v60 =	vpop (erf);
	v10 =	vadd.f32 $1.570796370e+00, v10  }
0x172: {  	v61 =	vadd.f32 $1.570796370e+00, v9;
	[tilespmem:s12+$0xC020] =	vst v7;
	v62 =	vmul.f32 $1.570796370e+00, v60  }
0x173: {  	v63 =	vld [tilespmem:s14+$0x4070];
	v6 =	vmul.f32 $1.570796370e+00, v56;
	v16 =	vadd.f32 $1.570796370e+00, v11;
	v17 =	vpop (erf);
	[tilespmem:s16+$0xC190] =	vst v10  }
0x174: {  	[tilespmem:s12+$0xC0A0] =	vst v61;
	v9 =	vadd.f32 $1.570796370e+00, v62;
	v11 =	vmul.f32 $1.570796370e+00, v17;
	v18 =	vld [tilespmem:s15+$0x41E0]  }
0x175: {  	v19 =	vld [tilespmem:s14+$0x40F0];
	v6 =	vadd.f32 $1.570796370e+00, v6;
	[tilespmem:s16+$0xC010] =	vst v16  }
0x176: {  	v10 =	vld [tilespmem:s15+$0x4060];
	[tilespmem:s16+$0xC090] =	vst v9;
	v20 =	vadd.f32 $1.570796370e+00, v11  }
0x177: {  	[tilespmem:s12+$0xC120] =	vst v6;
	v21 =	vld [tilespmem:s15+$0x40E0]  }
0x178: {  	v22 =	vmul.f32 $2.872313310e+01, v63;
	v23 =	vld [tilespmem:s14+$0x4170];
	[tilespmem:s16+$0xC110] =	vst v20  }
0x179: {  	v9 =	vld [tilespmem:s15+$0x4160];
	v7 =	vmul.f32 $2.872313310e+01, v18  }
0x17a: {  	v13 =	vmul.f32 $2.872313310e+01, v19;
	(erf) = vtanh.f32 v22  }
0x17b: {  	v24 =	vmul.f32 $2.872313310e+01, v10;
	(erf) = vtanh.f32 v7  }
0x17c: {  	v6 =	vmul.f32 $2.872313310e+01, v21;
	(erf) = vtanh.f32 v13  }
0x17d: {  	v25 =	vmul.f32 $2.872313310e+01, v23;
	(erf) = vtanh.f32 v24  }
0x17e: {  	v26 =	vmul.f32 $2.872313310e+01, v9;
	(erf) = vtanh.f32 v6  }
0x17f: {  	(erf) = vtanh.f32 v25  }
0x180: {  	(erf) = vtanh.f32 v26;
	_ =	sdelay $0x2  }
0x181: {  	v27 =	vpop (erf)  }
0x182: {  	v28 =	vpop (erf)  }
0x183: {  	v29 =	vpop (erf)  }
0x184: {  	v30 =	vpop (erf)  }
0x185: {  	v7 =	vmul.f32 $1.570796370e+00, v28;
	v31 =	vpop (erf)  }
0x186: {  	v10 =	vmul.f32 $1.570796370e+00, v30;
	v32 =	vpop (erf)  }
0x187: {  	v7 =	vadd.f32 $1.570796370e+00, v7;
	v11 =	vmul.f32 $1.570796370e+00, v31;
	v33 =	vpop (erf)  }
0x188: {  	v10 =	vadd.f32 $1.570796370e+00, v10;
	v34 =	vmul.f32 $1.570796370e+00, v33  }
0x189: {  	[tilespmem:s16+$0xC1A0] =	vst v7;
	v36 =	vadd.f32 $1.570796370e+00, v11  }
0x18a: {  	v35 =	vld [tilespmem:s15+$0x41F0];
	[tilespmem:s16+$0xC020] =	vst v10;
	v7 =	vadd.f32 $1.570796370e+00, v34  }
0x18b: {  	v37 =	vld [tilespmem:s15+$0x4070];
	[tilespmem:s16+$0xC0A0] =	vst v36  }
0x18c: {  	v10 =	vld [tilespmem:s15+$0x40F0];
	[tilespmem:s16+$0xC120] =	vst v7  }
0x18d: {  	v7 =	vld [tilespmem:s15+$0x4170];
	_ =	sdelay $0x1  }
0x18e: {  	v13 =	vmul.f32 $2.872313310e+01, v35  }
0x18f: {  	v1 =	vmul.f32 $1.570796370e+00, v1;
	v11 =	vmul.f32 $2.872313310e+01, v37  }
0x190: {  	(erf) = vtanh.f32 v13;
	v10 =	vmul.f32 $2.872313310e+01, v10  }
0x191: {  	(erf) = vtanh.f32 v11;
	v7 =	vmul.f32 $2.872313310e+01, v7  }
0x192: {  	v0 =	vadd.f32 $1.570796370e+00, v0;
	v2 =	vmul.f32 $1.570796370e+00, v2;
	(erf) = vtanh.f32 v10  }
0x193: {  	v1 =	vadd.f32 $1.570796370e+00, v1;
	v3 =	vmul.f32 $1.570796370e+00, v3;
	(erf) = vtanh.f32 v7  }
0x194: {  	[tilespmem:s2+$0xC0B0] =	vst v0;
	v38 =	vadd.f32 $1.570796370e+00, v2;
	v39 =	vmul.f32 $1.570796370e+00, v4  }
0x195: {  	[tilespmem:s2+$0xC130] =	vst v1;
	v40 =	vadd.f32 $1.570796370e+00, v3;
	v41 =	vmul.f32 $1.570796370e+00, v55  }
0x196: {  	[tilespmem:s6+$0xC1B0] =	vst v38;
	v42 =	vadd.f32 $1.570796370e+00, v39;
	v43 =	vmul.f32 $1.570796370e+00, v57  }
0x197: {  	[tilespmem:s6+$0xC030] =	vst v40;
	v44 =	vadd.f32 $1.570796370e+00, v41;
	v45 =	vmul.f32 $1.570796370e+00, v27  }
0x198: {  	[tilespmem:s6+$0xC0B0] =	vst v42;
	v46 =	vadd.f32 $1.570796370e+00, v43;
	v47 =	vmul.f32 $1.570796370e+00, v29  }
0x199: {  	[tilespmem:s6+$0xC130] =	vst v44;
	v48 =	vadd.f32 $1.570796370e+00, v45;
	v49 =	vmul.f32 $1.570796370e+00, v32;
	v50 =	vpop (erf)  }
0x19a: {  	[tilespmem:s12+$0xC1B0] =	vst v46;
	v51 =	vadd.f32 $1.570796370e+00, v47;
	v52 =	vmul.f32 $1.570796370e+00, v50;
	v53 =	vpop (erf)  }
0x19b: {  	[tilespmem:s12+$0xC030] =	vst v48;
	v54 =	vadd.f32 $1.570796370e+00, v49;
	v55 =	vmul.f32 $1.570796370e+00, v53;
	v56 =	vpop (erf)  }
0x19c: {  	[tilespmem:s12+$0xC0B0] =	vst v51;
	v57 =	vadd.f32 $1.570796370e+00, v52;
	v58 =	vmul.f32 $1.570796370e+00, v56;
	v59 =	vpop (erf)  }
0x19d: {  	s17 =	sshll.u32 s8, $0x3;
	[tilespmem:s12+$0xC130] =	vst v54;
	v60 =	vadd.f32 $1.570796370e+00, v55;
	v61 =	vmul.f32 $1.570796370e+00, v59  }
0x19e: {  	s2 =	sadd.s32 s7, s17;
	[tilespmem:s16+$0xC1B0] =	vst v57;
	v62 =	vadd.f32 $1.570796370e+00, v58  }
0x19f: {  	s2 =	smul.u32 $0x180, s2;
	[tilespmem:s16+$0xC030] =	vst v60;
	v63 =	vadd.f32 $1.570796370e+00, v61  }
0x1a0: {  	[tilespmem:s16+$0xC0B0] =	vst v62  }
0x1a1: {  	s19 =	simm.s32 $0x9000;
	s18 =	sadd.s32 s4, s2;
	[tilespmem:s16+$0xC130] =	vst v63  }
0x1a2: {  	[hbm4b:s18+s3] =	stream.linear.scatter [tilespmem:s19], [sflag:$0x3], $0xA00, $0x38;
	[tilespmem:$0x15000] =	vst v63  }
0x1a3: {  	s21 =	simm.s32 $0x9C00;
	s20 =	sadd.s32 $0x180, s18  }
0x1a4: {  	[hbm4b:s20+s3] =	stream.linear.scatter [tilespmem:s21], [sflag:$0x3], $0xA00, $0x38;
	[tilespmem:$0x15000] =	vst v63  }
0x1a5: {  	s14 =	simm.s32 $0xA800;
	s12 =	sadd.s32 $0x300, s18  }
0x1a6: {  	[hbm4b:s12+s3] =	stream.linear.scatter [tilespmem:s14], [sflag:$0x3], $0xA00, $0x38;
	[tilespmem:$0x15000] =	vst v63  }
0x1a7: {  	s6 =	sadd.s32 $0x480, s18;
	s15 =	simm.s32 $0xB400  }
0x1a8: {  	[hbm4b:s6+s3] =	stream.linear.scatter [tilespmem:s15], [sflag:$0x3], $0xA00, $0x38;
	[tilespmem:$0x15000] =	vst v63  }
0x1a9: {  	s2 =	sadd.s32 s5, s2;
	s16 =	simm.s32 $0xC000  }
0x1aa: {  	[hbm4b:s2+s3] =	stream.linear.scatter [tilespmem:s16], [sflag:$0x3], $0xA00, $0x38;
	[tilespmem:$0x15000] =	vst v63  }
0x1ab: {  	p1 =	sne.s32 s8, $0x3F;
	s17 =	sadd.s32 $0x180, s2;
	s18 =	simm.s32 $0xCC00  }
0x1ac: {  	[hbm4b:s17+s3] =	stream.linear.scatter [tilespmem:s18], [sflag:$0x3], $0xA00, $0x38;
	[tilespmem:$0x15000] =	vst v63  }
.Ltmp1:
0x1ad: {  	_ = 	snop;
	(pc) =	sbr.rel @p1 .LBB2_6-.Ltmp1, $4  }
0x1ae: {  	s19 =	sadd.s32 $0x300, s2;
	s20 =	simm.s32 $0xD800  }
0x1af: {  	[hbm4b:s19+s3] =	stream.linear.scatter [tilespmem:s20], [sflag:$0x3], $0xA00, $0x38;
	[tilespmem:$0x15000] =	vst v63  }
0x1b0: {  	s21 =	simm.s32 $0xE400;
	s2 =	sadd.s32 $0x480, s2  }
0x1b1: {  	[hbm4b:s2+s3] =	stream.linear.scatter [tilespmem:s21], [sflag:$0x3], $0xA00, $0x38;
	[tilespmem:$0x15000] =	vst v63  }
.Ltmp2:
0x1b2: {  	(pc) =	sbr.rel .LBB2_7-.Ltmp2, $4  }
0x1b3: {  	_ = 	snop  }
0x1b4: {  	_ =	swait.ge [sflag:s22], $0x2800  }
0x1b5: {  	[sflag:s22] =	ssyncset.done $0x0  }
0x1b6: {  	[sflag:s22] =	ssyncadd.s32 $0xFFFFD800  }
.LBB2_6:
0x1b7: {  	s2 =	sshll.u32 s8, $0x8  }
0x1b8: {  	s2 =	sand.u32 $0x3FFFFF00, s2  }
.Ltmp3:
0x1b9: {  	s6 =	simm.s32 $0x4000;
	s2 =	sadd.s32 $0x100, s2;
	(pc) =	sbr.rel @p0 .LBB2_8-.Ltmp3, $4  }
0x1ba: {  	[tilespmem:s6], [sflag:$0x1] =	stream.indirect.gather [hbm4b:s1+s10], $0x80, s2, s10, $0xb8;
	[tilespmem:$0x15000] =	vst v63  }
0x1bb: {  	_ =	swait.ge [sflag:s22], $0x2800  }
0x1bc: {  	[sflag:s22] =	ssyncset.done $0x0  }
0x1bd: {  	[sflag:s22] =	ssyncadd.s32 $0xFFFFD800  }
.LBB2_7:
0x1be: {  	_ =	swait.ge [sflag:s23], $0x2800  }
0x1bf: {  	[sflag:s23] =	ssyncset.done $0x0  }
0x1c0: {  	[sflag:s23] =	ssyncadd.s32 $0xFFFFD800  }
0x1c1: {  	_ =	swait.ge [sflag:s23], $0x2800  }
0x1c2: {  	[sflag:s23] =	ssyncset.done $0x0  }
0x1c3: {  	[sflag:s23] =	ssyncadd.s32 $0xFFFFD800  }
.LBB2_8:
0x1c4: {  	s17 =	simm.s32 $0x0  }
0x1c5: {  	v0 =	vld [tilespmem:s17+$0x6980];
	_ =	sdelay $0x4  }
0x1c6: {  	v1 =	vld [tilespmem:s17+$0x6800];
	v0 =	vmul.f32 $1.436156650e+01, v0  }
0x1c7: {  	v2 =	vld [tilespmem:s17+$0x6880]  }
0x1c8: {  	v3 =	vld [tilespmem:s17+$0x6900];
	(erf) = vtanh.f32 v0;
	_ =	sdelay $0x2  }
0x1c9: {  	v0 =	vmul.f32 $1.436156650e+01, v1  }
0x1ca: {  	v1 =	vmul.f32 $1.436156650e+01, v2  }
0x1cb: {  	v2 =	vmul.f32 $1.436156650e+01, v3;
	(erf) = vtanh.f32 v0  }
0x1cc: {  	(erf) = vtanh.f32 v1  }
0x1cd: {  	s2 =	simm.s32 $0x0;
	(erf) = vtanh.f32 v2  }
0x1ce: {  	s2 =	smulhi.u32 $0xCCCCCCCD, s2  }
0x1cf: {  	v0 =	vpop (erf)  }
0x1d0: {  	s2 =	sshll.u32 s2, $0x5;
	v0 =	vmul.f32 $3.141592740e+00, v0  }
0x1d1: {  	s2 =	sand.u32 $0x3FFFFE00, s2  }
0x1d2: {  	s12 =	sadd.s32 $0x0, s2  }
0x1d3: {  	[tilespmem:s12+$0xF180] =	vst v0  }
0x1d4: {  	v1 =	vld [tilespmem:s17+$0x6990];
	v0 =	vpop (erf)  }
0x1d5: {  	v0 =	vmul.f32 $3.141592740e+00, v0;
	v2 =	vpop (erf)  }
0x1d6: {  	v2 =	vmul.f32 $3.141592740e+00, v2;
	v3 =	vpop (erf)  }
0x1d7: {  	[tilespmem:s12+$0xF000] =	vst v0;
	v0 =	vmul.f32 $3.141592740e+00, v3  }
0x1d8: {  	[tilespmem:s12+$0xF080] =	vst v2  }
0x1d9: {  	v3 =	vld [tilespmem:s17+$0x6810];
	[tilespmem:s12+$0xF100] =	vst v0;
	v0 =	vmul.f32 $1.436156650e+01, v1  }
0x1da: {  	v2 =	vld [tilespmem:s17+$0x6890]  }
0x1db: {  	v1 =	vld [tilespmem:s17+$0x6910];
	(erf) = vtanh.f32 v0;
	_ =	sdelay $0x2  }
0x1dc: {  	v0 =	vmul.f32 $1.436156650e+01, v3  }
0x1dd: {  	v2 =	vmul.f32 $1.436156650e+01, v2  }
0x1de: {  	(erf) = vtanh.f32 v0;
	v0 =	vmul.f32 $1.436156650e+01, v1;
	_ =	sdelay $0x1  }
0x1df: {  	(erf) = vtanh.f32 v2  }
0x1e0: {  	(erf) = vtanh.f32 v0  }
0x1e1: {  	v0 =	vpop (erf)  }
0x1e2: {  	v0 =	vmul.f32 $3.141592740e+00, v0;
	_ =	sdelay $0x3  }
0x1e3: {  	[tilespmem:s12+$0xF190] =	vst v0;
	v0 =	vpop (erf)  }
0x1e4: {  	v0 =	vmul.f32 $3.141592740e+00, v0  }
0x1e5: {  	v1 =	vld [tilespmem:s17+$0x69A0];
	v2 =	vpop (erf)  }
0x1e6: {  	v2 =	vmul.f32 $3.141592740e+00, v2;
	v3 =	vpop (erf);
	[tilespmem:s12+$0xF010] =	vst v0  }
0x1e7: {  	v0 =	vmul.f32 $3.141592740e+00, v3;
	v3 =	vld [tilespmem:s17+$0x6820]  }
0x1e8: {  	[tilespmem:s12+$0xF090] =	vst v2  }
0x1e9: {  	v2 =	vld [tilespmem:s17+$0x68A0];
	[tilespmem:s12+$0xF110] =	vst v0  }
0x1ea: {  	v0 =	vmul.f32 $1.436156650e+01, v1;
	v1 =	vld [tilespmem:s17+$0x6920]  }
0x1eb: {  	s2 =	simm.s32 $0x200  }
0x1ec: {  	(erf) = vtanh.f32 v0;
	v0 =	vmul.f32 $1.436156650e+01, v3;
	v3 =	vld [tilespmem:s2+$0x6980];
	_ =	sdelay $0x1  }
0x1ed: {  	v2 =	vmul.f32 $1.436156650e+01, v2  }
0x1ee: {  	(erf) = vtanh.f32 v0;
	v1 =	vmul.f32 $1.436156650e+01, v1  }
0x1ef: {  	(erf) = vtanh.f32 v2  }
0x1f0: {  	v0 =	vld [tilespmem:s2+$0x6800];
	(erf) = vtanh.f32 v1;
	v1 =	vmul.f32 $1.436156650e+01, v3;
	_ =	sdelay $0x1  }
0x1f1: {  	v3 =	vld [tilespmem:s2+$0x6900]  }
0x1f2: {  	v2 =	vld [tilespmem:s2+$0x6880]  }
0x1f3: {  	(erf) = vtanh.f32 v1;
	v1 =	vpop (erf)  }
0x1f4: {  	v0 =	vmul.f32 $1.436156650e+01, v0;
	v1 =	vmul.f32 $3.141592740e+00, v1;
	_ =	sdelay $0x1  }
0x1f5: {  	(erf) = vtanh.f32 v0;
	v0 =	vmul.f32 $1.436156650e+01, v3  }
0x1f6: {  	v2 =	vmul.f32 $1.436156650e+01, v2  }
0x1f7: {  	[tilespmem:s12+$0xF1A0] =	vst v1;
	v1 =	vpop (erf)  }
0x1f8: {  	(erf) = vtanh.f32 v2;
	v3 =	vpop (erf)  }
0x1f9: {  	(erf) = vtanh.f32 v0;
	v1 =	vmul.f32 $3.141592740e+00, v1;
	v0 =	vpop (erf)  }
0x1fa: {  	v0 =	vmul.f32 $3.141592740e+00, v0  }
0x1fb: {  	s6 =	simm.s32 $0x4;
	v2 =	vld [tilespmem:s17+$0x69B0];
	[tilespmem:s12+$0xF020] =	vst v1  }
0x1fc: {  	s6 =	smulhi.u32 $0xCCCCCCCD, s6;
	v1 =	vld [tilespmem:s17+$0x6830];
	_ =	sdelay $0x1  }
0x1fd: {  	s6 =	sshll.u32 s6, $0x5;
	v3 =	vmul.f32 $3.141592740e+00, v3;
	[tilespmem:s12+$0xF120] =	vst v0;
	v0 =	vpop (erf)  }
0x1fe: {  	s6 =	sand.u32 $0x3FFFFE00, s6;
	v0 =	vmul.f32 $3.141592740e+00, v0  }
0x1ff: {  	s16 =	sadd.s32 $0x200, s6;
	[tilespmem:s12+$0xF0A0] =	vst v3  }
0x200: {  	v2 =	vmul.f32 $1.436156650e+01, v2;
	v3 =	vld [tilespmem:s17+$0x68B0];
	[tilespmem:s16+$0xF180] =	vst v0;
	v0 =	vmul.f32 $1.436156650e+01, v1  }
0x201: {  	v4 =	vld [tilespmem:s17+$0x6930];
	v5 =	vpop (erf)  }
0x202: {  	(erf) = vtanh.f32 v2;
	v2 =	vmul.f32 $3.141592740e+00, v5;
	v5 =	vld [tilespmem:s2+$0x6990]  }
0x203: {  	v1 =	vpop (erf)  }
0x204: {  	(erf) = vtanh.f32 v0;
	v0 =	vpop (erf)  }
0x205: {  	v0 =	vmul.f32 $3.141592740e+00, v0  }
0x206: {  	v3 =	vmul.f32 $1.436156650e+01, v3;
	v1 =	vmul.f32 $3.141592740e+00, v1;
	[tilespmem:s16+$0xF000] =	vst v2  }
0x207: {  	v2 =	vmul.f32 $1.436156650e+01, v4;
	[tilespmem:s16+$0xF100] =	vst v0;
	v0 =	vmul.f32 $1.436156650e+01, v5  }
0x208: {  	v4 =	vld [tilespmem:s2+$0x6810];
	(erf) = vtanh.f32 v3  }
0x209: {  	[tilespmem:s16+$0xF080] =	vst v1;
	(erf) = vtanh.f32 v2  }
0x20a: {  	v1 =	vld [tilespmem:s2+$0x6890]  }
0x20b: {  	v2 =	vld [tilespmem:s2+$0x6910];
	(erf) = vtanh.f32 v0;
	v0 =	vpop (erf)  }
0x20c: {  	v0 =	vmul.f32 $3.141592740e+00, v0  }
0x20d: {  	v3 =	vmul.f32 $1.436156650e+01, v4;
	_ =	sdelay $0x1  }
0x20e: {  	v1 =	vmul.f32 $1.436156650e+01, v1  }
0x20f: {  	(erf) = vtanh.f32 v3;
	v2 =	vmul.f32 $1.436156650e+01, v2;
	[tilespmem:s12+$0xF1B0] =	vst v0;
	v0 =	vpop (erf)  }
0x210: {  	(erf) = vtanh.f32 v1;
	v0 =	vmul.f32 $3.141592740e+00, v0;
	v3 =	vpop (erf)  }
0x211: {  	(erf) = vtanh.f32 v2;
	v2 =	vmul.f32 $3.141592740e+00, v3;
	v3 =	vpop (erf)  }
0x212: {  	v1 =	vld [tilespmem:s17+$0x69C0];
	[tilespmem:s12+$0xF030] =	vst v0;
	v0 =	vmul.f32 $3.141592740e+00, v3;
	_ =	sdelay $0x3  }
0x213: {  	[tilespmem:s12+$0xF130] =	vst v0;
	v0 =	vpop (erf)  }
0x214: {  	v1 =	vmul.f32 $2.872313310e+01, v1;
	v0 =	vmul.f32 $3.141592740e+00, v0  }
0x215: {  	v3 =	vld [tilespmem:s17+$0x6840];
	[tilespmem:s12+$0xF0B0] =	vst v2;
	v5 =	vpop (erf)  }
0x216: {  	v2 =	vld [tilespmem:s17+$0x68C0];
	(erf) = vtanh.f32 v1;
	v1 =	vmul.f32 $3.141592740e+00, v5  }
0x217: {  	v4 =	vld [tilespmem:s17+$0x6940]  }
0x218: {  	[tilespmem:s16+$0xF190] =	vst v0;
	v0 =	vpop (erf)  }
0x219: {  	v0 =	vmul.f32 $3.141592740e+00, v0  }
0x21a: {  	v3 =	vmul.f32 $2.872313310e+01, v3;
	[tilespmem:s16+$0xF010] =	vst v1;
	v1 =	vpop (erf)  }
0x21b: {  	v2 =	vmul.f32 $2.872313310e+01, v2;
	v5 =	vld [tilespmem:s2+$0x69A0];
	[tilespmem:s16+$0xF090] =	vst v0;
	v0 =	vmul.f32 $3.141592740e+00, v1  }
0x21c: {  	v4 =	vmul.f32 $2.872313310e+01, v4;
	(erf) = vtanh.f32 v3;
	v1 =	vld [tilespmem:s2+$0x68A0]  }
0x21d: {  	v3 =	vld [tilespmem:s2+$0x6820];
	(erf) = vtanh.f32 v2;
	[tilespmem:s16+$0xF110] =	vst v0  }
0x21e: {  	(erf) = vtanh.f32 v4;
	v2 =	vld [tilespmem:s2+$0x6920];
	_ =	sdelay $0x1  }
0x21f: {  	v0 =	vmul.f32 $1.436156650e+01, v5  }
0x220: {  	v1 =	vmul.f32 $1.436156650e+01, v1  }
0x221: {  	v3 =	vmul.f32 $1.436156650e+01, v3  }
0x222: {  	s11 =	simm.s32 $0x400;
	(erf) = vtanh.f32 v0;
	v2 =	vmul.f32 $1.436156650e+01, v2  }
0x223: {  	(erf) = vtanh.f32 v3;
	v3 =	vld [tilespmem:s11+$0x6800];
	v0 =	vpop (erf)  }
0x224: {  	v4 =	vld [tilespmem:s11+$0x6980];
	v0 =	vmul.f32 $1.570796370e+00, v0;
	(erf) = vtanh.f32 v1;
	v1 =	vpop (erf)  }
0x225: {  	v6 =	vpop (erf)  }
0x226: {  	v0 =	vadd.f32 $1.570796370e+00, v0;
	(erf) = vtanh.f32 v2;
	v2 =	vpop (erf)  }
0x227: {  	s6 =	sadd.s32 $0x12000, s12;
	v1 =	vmul.f32 $1.570796370e+00, v1;
	v2 =	vmul.f32 $1.570796370e+00, v2  }
0x228: {  	v5 =	vld [tilespmem:s11+$0x6880];
	v3 =	vmul.f32 $1.436156650e+01, v3;
	[tilespmem:s6+$0x180] =	vst v0;
	v0 =	vmul.f32 $1.570796370e+00, v6  }
0x229: {  	v4 =	vmul.f32 $1.436156650e+01, v4;
	v6 =	vld [tilespmem:s17+$0x69D0];
	v1 =	vadd.f32 $1.570796370e+00, v1  }
0x22a: {  	v7 =	vld [tilespmem:s11+$0x6900];
	v0 =	vadd.f32 $1.570796370e+00, v0  }
0x22b: {  	(erf) = vtanh.f32 v4;
	[tilespmem:s12+$0x12000] =	vst v1;
	v1 =	vadd.f32 $1.570796370e+00, v2;
	v2 =	vpop (erf)  }
0x22c: {  	(erf) = vtanh.f32 v3;
	[tilespmem:s6+$0x80] =	vst v0;
	v0 =	vmul.f32 $3.141592740e+00, v2;
	v3 =	vpop (erf)  }
0x22d: {  	v4 =	vmul.f32 $1.436156650e+01, v5;
	v5 =	vld [tilespmem:s17+$0x6850];
	[tilespmem:s6+$0x100] =	vst v1;
	v1 =	vmul.f32 $3.141592740e+00, v3  }
0x22e: {  	v6 =	vmul.f32 $2.872313310e+01, v6;
	v2 =	vld [tilespmem:s17+$0x68D0]  }
0x22f: {  	(erf) = vtanh.f32 v4;
	v4 =	vld [tilespmem:s17+$0x6950];
	v3 =	vmul.f32 $1.436156650e+01, v7;
	[tilespmem:s16+$0xF1A0] =	vst v0  }
0x230: {  	(erf) = vtanh.f32 v6;
	v7 =	vld [tilespmem:s2+$0x69B0];
	v0 =	vpop (erf)  }
0x231: {  	[tilespmem:s16+$0xF020] =	vst v1;
	(erf) = vtanh.f32 v3;
	v1 =	vpop (erf)  }
0x232: {  	v3 =	vmul.f32 $2.872313310e+01, v5;
	v1 =	vmul.f32 $3.141592740e+00, v1  }
0x233: {  	s20 =	simm.s32 $0x8;
	v5 =	vld [tilespmem:s2+$0x6830];
	v0 =	vmul.f32 $3.141592740e+00, v0  }
0x234: {  	s12 =	smulhi.u32 $0xCCCCCCCD, s20;
	(erf) = vtanh.f32 v3;
	v3 =	vmul.f32 $2.872313310e+01, v4  }
0x235: {  	v2 =	vmul.f32 $2.872313310e+01, v2;
	[tilespmem:s16+$0xF0A0] =	vst v0;
	v4 =	vmul.f32 $1.436156650e+01, v7  }
0x236: {  	s12 =	sshll.u32 s12, $0x5;
	v0 =	vld [tilespmem:s2+$0x68B0];
	[tilespmem:s16+$0xF120] =	vst v1;
	v1 =	vpop (erf)  }
0x237: {  	s12 =	sand.u32 $0x3FFFFE00, s12;
	(erf) = vtanh.f32 v2;
	v2 =	vld [tilespmem:s2+$0x6930];
	v1 =	vmul.f32 $3.141592740e+00, v1  }
0x238: {  	s15 =	sadd.s32 $0x400, s12;
	(erf) = vtanh.f32 v3;
	v5 =	vmul.f32 $1.436156650e+01, v5;
	v3 =	vpop (erf)  }
0x239: {  	(erf) = vtanh.f32 v4;
	v3 =	vmul.f32 $3.141592740e+00, v3;
	v4 =	vpop (erf);
	[tilespmem:s15+$0xF180] =	vst v1  }
0x23a: {  	v1 =	vmul.f32 $3.141592740e+00, v4;
	v4 =	vld [tilespmem:s11+$0x6990]  }
0x23b: {  	v0 =	vmul.f32 $1.436156650e+01, v0  }
0x23c: {  	(erf) = vtanh.f32 v5;
	v5 =	vpop (erf);
	v2 =	vmul.f32 $1.436156650e+01, v2;
	[tilespmem:s15+$0xF080] =	vst v1  }
0x23d: {  	[tilespmem:s15+$0xF000] =	vst v3;
	v5 =	vmul.f32 $1.570796370e+00, v5;
	(erf) = vtanh.f32 v0;
	v3 =	vpop (erf);
	v0 =	vld [tilespmem:s11+$0x6890]  }
0x23e: {  	v6 =	vld [tilespmem:s11+$0x6810];
	v1 =	vmul.f32 $3.141592740e+00, v3  }
0x23f: {  	(erf) = vtanh.f32 v2;
	v2 =	vadd.f32 $1.570796370e+00, v5;
	v3 =	vpop (erf);
	v4 =	vmul.f32 $1.436156650e+01, v4  }
0x240: {  	[tilespmem:s15+$0xF100] =	vst v1;
	v1 =	vmul.f32 $1.570796370e+00, v3;
	v3 =	vpop (erf)  }
0x241: {  	[tilespmem:s6+$0x190] =	vst v2;
	v5 =	vld [tilespmem:s11+$0x6910];
	v3 =	vmul.f32 $1.570796370e+00, v3  }
0x242: {  	v2 =	vld [tilespmem:s17+$0x69E0];
	v7 =	vpop (erf);
	v1 =	vadd.f32 $1.570796370e+00, v1;
	v0 =	vmul.f32 $1.436156650e+01, v0  }
0x243: {  	v6 =	vmul.f32 $1.436156650e+01, v6;
	(erf) = vtanh.f32 v4;
	v3 =	vadd.f32 $1.570796370e+00, v3;
	v4 =	vpop (erf)  }
0x244: {  	[tilespmem:s6+$0x10] =	vst v1;
	v4 =	vmul.f32 $3.141592740e+00, v4  }
0x245: {  	(erf) = vtanh.f32 v6;
	[tilespmem:s6+$0x90] =	vst v3  }
0x246: {  	(erf) = vtanh.f32 v0;
	v0 =	vpop (erf);
	v3 =	vmul.f32 $1.436156650e+01, v5;
	[tilespmem:s16+$0xF1B0] =	vst v4;
	v4 =	vld [tilespmem:s17+$0x68E0]  }
0x247: {  	v1 =	vld [tilespmem:s17+$0x6860];
	v2 =	vmul.f32 $2.872313310e+01, v2;
	v0 =	vmul.f32 $3.141592740e+00, v0;
	v6 =	vpop (erf)  }
0x248: {  	(erf) = vtanh.f32 v3;
	v3 =	vmul.f32 $3.141592740e+00, v6;
	v6 =	vpop (erf)  }
0x249: {  	[tilespmem:s16+$0xF030] =	vst v0;
	v0 =	vmul.f32 $3.141592740e+00, v6  }
0x24a: {  	(erf) = vtanh.f32 v2;
	v2 =	vmul.f32 $1.570796370e+00, v7  }
0x24b: {  	[tilespmem:s16+$0xF130] =	vst v0;
	v0 =	vmul.f32 $2.872313310e+01, v4  }
0x24c: {  	v5 =	vld [tilespmem:s2+$0x69C0];
	v1 =	vmul.f32 $2.872313310e+01, v1;
	v2 =	vadd.f32 $1.570796370e+00, v2  }
0x24d: {  	v6 =	vld [tilespmem:s2+$0x6840];
	[tilespmem:s16+$0xF0B0] =	vst v3  }
0x24e: {  	v3 =	vld [tilespmem:s2+$0x68C0];
	v4 =	vpop (erf);
	(erf) = vtanh.f32 v1  }
0x24f: {  	(erf) = vtanh.f32 v0;
	v0 =	vpop (erf)  }
0x250: {  	v1 =	vmul.f32 $3.141592740e+00, v4;
	[tilespmem:s6+$0x110] =	vst v2;
	v0 =	vmul.f32 $3.141592740e+00, v0;
	v2 =	vpop (erf)  }
0x251: {  	v5 =	vmul.f32 $2.872313310e+01, v5;
	v2 =	vmul.f32 $3.141592740e+00, v2  }
0x252: {  	v7 =	vld [tilespmem:s2+$0x6940];
	[tilespmem:s15+$0xF190] =	vst v1;
	v1 =	vmul.f32 $2.872313310e+01, v6  }
0x253: {  	v4 =	vld [tilespmem:s17+$0x6960];
	(erf) = vtanh.f32 v5;
	v3 =	vmul.f32 $2.872313310e+01, v3;
	[tilespmem:s15+$0xF010] =	vst v0  }
0x254: {  	v5 =	vld [tilespmem:s11+$0x69A0];
	(erf) = vtanh.f32 v1;
	[tilespmem:s15+$0xF090] =	vst v2;
	v0 =	vpop (erf)  }
0x255: {  	(erf) = vtanh.f32 v3;
	v3 =	vld [tilespmem:s11+$0x68A0];
	v2 =	vpop (erf)  }
0x256: {  	v1 =	vld [tilespmem:s11+$0x6820];
	v2 =	vmul.f32 $1.570796370e+00, v2  }
0x257: {  	v6 =	vmul.f32 $2.872313310e+01, v7;
	v0 =	vmul.f32 $3.141592740e+00, v0  }
0x258: {  	v2 =	vadd.f32 $1.570796370e+00, v2  }
0x259: {  	(erf) = vtanh.f32 v6;
	[tilespmem:s15+$0xF110] =	vst v0;
	v0 =	vmul.f32 $2.872313310e+01, v4  }
0x25a: {  	v5 =	vmul.f32 $1.436156650e+01, v5;
	[tilespmem:s6+$0x1A0] =	vst v2;
	v2 =	vmul.f32 $1.436156650e+01, v3  }
0x25b: {  	v6 =	vpop (erf);
	(erf) = vtanh.f32 v0;
	v0 =	vmul.f32 $1.436156650e+01, v1  }
0x25c: {  	s14 =	simm.s32 $0x600;
	v7 =	vpop (erf);
	v4 =	vld [tilespmem:s11+$0x6920];
	(erf) = vtanh.f32 v5  }
0x25d: {  	v1 =	vpop (erf);
	(erf) = vtanh.f32 v0;
	v0 =	vld [tilespmem:s14+$0x6980]  }
0x25e: {  	v3 =	vld [tilespmem:s17+$0x69F0];
	(erf) = vtanh.f32 v2;
	v2 =	vpop (erf)  }
0x25f: {  	v1 =	vmul.f32 $1.570796370e+00, v1;
	v2 =	vmul.f32 $1.570796370e+00, v2;
	_ =	sdelay $0x1  }
0x260: {  	v5 =	vld [tilespmem:s14+$0x6800];
	v1 =	vadd.f32 $1.570796370e+00, v1;
	v2 =	vadd.f32 $1.570796370e+00, v2  }
0x261: {  	s12 =	sadd.s32 $0x12000, s16;
	v4 =	vmul.f32 $1.436156650e+01, v4;
	v0 =	vmul.f32 $1.436156650e+01, v0  }
0x262: {  	[tilespmem:s12+$0x180] =	vst v1;
	v1 =	vmul.f32 $1.570796370e+00, v6;
	v9 =	vpop (erf);
	v3 =	vmul.f32 $2.872313310e+01, v3  }
0x263: {  	(erf) = vtanh.f32 v4;
	v52 =	vld [tilespmem:s2+$0x69D0];
	v4 =	vmul.f32 $1.570796370e+00, v9;
	v6 =	vpop (erf)  }
0x264: {  	v8 =	vld [tilespmem:s14+$0x6880];
	v6 =	vmul.f32 $1.570796370e+00, v6;
	(erf) = vtanh.f32 v3;
	[tilespmem:s16+$0x12000] =	vst v2;
	v2 =	vpop (erf)  }
0x265: {  	v5 =	vmul.f32 $1.436156650e+01, v5;
	v4 =	vadd.f32 $1.570796370e+00, v4;
	(erf) = vtanh.f32 v0;
	v0 =	vpop (erf)  }
0x266: {  	v3 =	vadd.f32 $1.570796370e+00, v6;
	v0 =	vmul.f32 $3.141592740e+00, v0  }
0x267: {  	[tilespmem:s12+$0x80] =	vst v4  }
0x268: {  	v10 =	vld [tilespmem:s14+$0x6900];
	[tilespmem:s12+$0x100] =	vst v3;
	v3 =	vmul.f32 $2.872313310e+01, v52  }
0x269: {  	v6 =	vmul.f32 $1.436156650e+01, v8;
	v4 =	vld [tilespmem:s2+$0x68D0];
	(erf) = vtanh.f32 v5;
	v5 =	vpop (erf)  }
0x26a: {  	v8 =	vld [tilespmem:s2+$0x6850];
	[tilespmem:s15+$0xF1A0] =	vst v0;
	v0 =	vpop (erf)  }
0x26b: {  	(erf) = vtanh.f32 v6;
	v0 =	vmul.f32 $3.141592740e+00, v0  }
0x26c: {  	(erf) = vtanh.f32 v3;
	v3 =	vpop (erf)  }
0x26d: {  	v5 =	vmul.f32 $3.141592740e+00, v5;
	[tilespmem:s15+$0xF0A0] =	vst v0;
	v0 =	vmul.f32 $3.141592740e+00, v3  }
0x26e: {  	v53 =	vmul.f32 $1.436156650e+01, v10;
	v3 =	vmul.f32 $2.872313310e+01, v4  }
0x26f: {  	v54 =	vld [tilespmem:s2+$0x6950];
	[tilespmem:s15+$0xF020] =	vst v5;
	v5 =	vmul.f32 $2.872313310e+01, v8  }
0x270: {  	(erf) = vtanh.f32 v53;
	v6 =	vld [tilespmem:s11+$0x69B0]  }
0x271: {  	s18 =	simm.s32 $0xC;
	v8 =	vld [tilespmem:s11+$0x6830];
	(erf) = vtanh.f32 v5;
	[tilespmem:s15+$0xF120] =	vst v0;
	v0 =	vpop (erf)  }
0x272: {  	s21 =	smulhi.u32 $0xCCCCCCCD, s18;
	v4 =	vmul.f32 $1.570796370e+00, v7;
	(erf) = vtanh.f32 v3;
	v3 =	vpop (erf)  }
0x273: {  	v7 =	vld [tilespmem:s11+$0x68B0];
	v3 =	vmul.f32 $3.141592740e+00, v3  }
0x274: {  	v1 =	vadd.f32 $1.570796370e+00, v1;
	s16 =	sshll.u32 s21, $0x5;
	v5 =	vmul.f32 $2.872313310e+01, v54;
	v55 =	vld [tilespmem:s11+$0x6930]  }
0x275: {  	s16 =	sand.u32 $0x3FFFFE00, s16;
	v2 =	vmul.f32 $1.570796370e+00, v2;
	v6 =	vmul.f32 $1.436156650e+01, v6  }
0x276: {  	[tilespmem:s6+$0x20] =	vst v1;
	s16 =	sadd.s32 $0x600, s16;
	v1 =	vadd.f32 $1.570796370e+00, v4;
	(erf) = vtanh.f32 v5;
	v5 =	vmul.f32 $1.436156650e+01, v8;
	v4 =	vpop (erf)  }
0x277: {  	(erf) = vtanh.f32 v6;
	v6 =	vld [tilespmem:s17+$0x6870];
	v4 =	vmul.f32 $3.141592740e+00, v4;
	[tilespmem:s16+$0xF180] =	vst v3;
	v3 =	vpop (erf)  }
0x278: {  	[tilespmem:s6+$0xA0] =	vst v1;
	v7 =	vmul.f32 $1.436156650e+01, v7;
	v1 =	vmul.f32 $3.141592740e+00, v3;
	v3 =	vld [tilespmem:s14+$0x6990]  }
0x279: {  	(erf) = vtanh.f32 v5;
	v9 =	vmul.f32 $1.436156650e+01, v55;
	[tilespmem:s16+$0xF000] =	vst v4  }
0x27a: {  	v56 =	vld [tilespmem:s14+$0x6810];
	v5 =	vpop (erf);
	(erf) = vtanh.f32 v7  }
0x27b: {  	v2 =	vadd.f32 $1.570796370e+00, v2;
	v8 =	vld [tilespmem:s17+$0x68F0];
	v4 =	vpop (erf);
	v5 =	vmul.f32 $1.570796370e+00, v5;
	(erf) = vtanh.f32 v9;
	[tilespmem:s16+$0xF080] =	vst v1  }
0x27c: {  	v6 =	vmul.f32 $2.872313310e+01, v6;
	v1 =	vmul.f32 $3.141592740e+00, v4;
	v4 =	vld [tilespmem:s14+$0x6890]  }
0x27d: {  	[tilespmem:s6+$0x120] =	vst v2;
	v7 =	vpop (erf);
	v5 =	vadd.f32 $1.570796370e+00, v5;
	v3 =	vmul.f32 $1.436156650e+01, v3  }
0x27e: {  	[tilespmem:s16+$0xF100] =	vst v1;
	v1 =	vmul.f32 $1.570796370e+00, v7;
	v7 =	vpop (erf);
	(erf) = vtanh.f32 v6  }
0x27f: {  	v2 =	vmul.f32 $1.436156650e+01, v56;
	v57 =	vld [tilespmem:s14+$0x6910];
	v7 =	vmul.f32 $1.570796370e+00, v7;
	[tilespmem:s12+$0x190] =	vst v5  }
0x280: {  	v5 =	vmul.f32 $2.872313310e+01, v8;
	v6 =	vpop (erf);
	v1 =	vadd.f32 $1.570796370e+00, v1;
	v8 =	vld [tilespmem:s2+$0x69E0];
	(erf) = vtanh.f32 v3  }
0x281: {  	v7 =	vadd.f32 $1.570796370e+00, v7;
	v4 =	vmul.f32 $1.436156650e+01, v4;
	v3 =	vpop (erf);
	(erf) = vtanh.f32 v2  }
0x282: {  	[tilespmem:s12+$0x10] =	vst v1;
	v2 =	vmul.f32 $1.570796370e+00, v6;
	v3 =	vmul.f32 $3.141592740e+00, v3;
	v6 =	vpop (erf)  }
0x283: {  	[tilespmem:s12+$0x90] =	vst v7;
	(erf) = vtanh.f32 v4;
	v4 =	vmul.f32 $3.141592740e+00, v6;
	v59 =	vpop (erf)  }
0x284: {  	v1 =	vld [tilespmem:s2+$0x6860];
	v7 =	vmul.f32 $1.436156650e+01, v57;
	[tilespmem:s15+$0xF1B0] =	vst v3;
	v60 =	vpop (erf)  }
0x285: {  	v8 =	vmul.f32 $2.872313310e+01, v8;
	v3 =	vld [tilespmem:s2+$0x68E0];
	[tilespmem:s15+$0xF030] =	vst v4;
	v4 =	vmul.f32 $3.141592740e+00, v60  }
0x286: {  	(erf) = vtanh.f32 v7;
	v7 =	vmul.f32 $3.141592740e+00, v59  }
0x287: {  	v6 =	vld [tilespmem:s11+$0x69C0]  }
0x288: {  	v2 =	vadd.f32 $1.570796370e+00, v2;
	(erf) = vtanh.f32 v8;
	v8 =	vld [tilespmem:s11+$0x6840];
	[tilespmem:s15+$0xF0B0] =	vst v7  }
0x289: {  	v1 =	vmul.f32 $2.872313310e+01, v1;
	v61 =	vld [tilespmem:s11+$0x68C0];
	[tilespmem:s15+$0xF130] =	vst v4;
	v4 =	vpop (erf)  }
0x28a: {  	(erf) = vtanh.f32 v5;
	v3 =	vmul.f32 $2.872313310e+01, v3;
	v5 =	vpop (erf)  }
0x28b: {  	(erf) = vtanh.f32 v1;
	v1 =	vmul.f32 $3.141592740e+00, v5  }
0x28c: {  	v58 =	vld [tilespmem:s17+$0x6970];
	[tilespmem:s12+$0x110] =	vst v2;
	v6 =	vmul.f32 $2.872313310e+01, v6;
	(erf) = vtanh.f32 v3;
	v2 =	vpop (erf)  }
0x28d: {  	v62 =	vld [tilespmem:s11+$0x6940];
	v3 =	vmul.f32 $1.570796370e+00, v4;
	v2 =	vmul.f32 $3.141592740e+00, v2  }
0x28e: {  	v4 =	vld [tilespmem:s2+$0x6960];
	v5 =	vmul.f32 $2.872313310e+01, v8;
	v8 =	vmul.f32 $2.872313310e+01, v61  }
0x28f: {  	v0 =	vmul.f32 $1.570796370e+00, v0;
	[tilespmem:s16+$0xF190] =	vst v1;
	v1 =	vpop (erf)  }
0x290: {  	(erf) = vtanh.f32 v6;
	v6 =	vld [tilespmem:s14+$0x69A0];
	v1 =	vmul.f32 $3.141592740e+00, v1  }
0x291: {  	v0 =	vadd.f32 $1.570796370e+00, v0;
	v7 =	vmul.f32 $2.872313310e+01, v58;
	[tilespmem:s16+$0xF010] =	vst v2;
	(erf) = vtanh.f32 v5;
	v2 =	vpop (erf)  }
0x292: {  	v63 =	vmul.f32 $2.872313310e+01, v62;
	(erf) = vtanh.f32 v8;
	v8 =	vpop (erf)  }
0x293: {  	[tilespmem:s6+$0x1B0] =	vst v0;
	v0 =	vadd.f32 $1.570796370e+00, v3;
	v4 =	vmul.f32 $2.872313310e+01, v4;
	v3 =	vmul.f32 $1.570796370e+00, v8  }
0x294: {  	v5 =	vld [tilespmem:s14+$0x6820];
	v2 =	vmul.f32 $3.141592740e+00, v2;
	(erf) = vtanh.f32 v63;
	[tilespmem:s16+$0xF090] =	vst v1;
	v1 =	vpop (erf)  }
0x295: {  	[tilespmem:s6+$0x30] =	vst v0;
	v6 =	vmul.f32 $1.436156650e+01, v6;
	v0 =	vmul.f32 $1.570796370e+00, v1;
	v1 =	vld [tilespmem:s14+$0x68A0]  }
0x296: {  	(erf) = vtanh.f32 v7;
	[tilespmem:s16+$0xF110] =	vst v2  }
0x297: {  	(erf) = vtanh.f32 v4;
	v7 =	vadd.f32 $1.570796370e+00, v3;
	v4 =	vld [tilespmem:s14+$0x6920];
	v3 =	vpop (erf)  }
0x298: {  	v3 =	vmul.f32 $1.570796370e+00, v3;
	v2 =	vpop (erf)  }
0x299: {  	s8 =	sadd.s32 $0x1, s8;
	s19 =	simm.s32 $0x2000;
	s17 =	simm.s32 $0xC;
	v5 =	vmul.f32 $1.436156650e+01, v5;
	(erf) = vtanh.f32 v6;
	[tilespmem:s12+$0x1A0] =	vst v7;
	v6 =	vpop (erf)  }
.LBB2_9:
0x29a: {  	s20 =	sshra.s32 s19, $0x2;
	s17 =	sadd.s32 $0x4, s17;
	v1 =	vmul.f32 $1.436156650e+01, v1;
	v11 =	vmul.f32 $1.570796370e+00, v6;
	v3 =	vadd.f32 $1.570796370e+00, v3;
	v7 =	vld [tilespmem:s2+$0x69F0]  }
0x29b: {  	v2 =	vmul.f32 $1.570796370e+00, v2;
	v0 =	vadd.f32 $1.570796370e+00, v0;
	v8 =	vld [tilespmem:s20+$0x6980];
	p0 =	slt.u32 s17, $0x4C;
	(erf) = vtanh.f32 v5  }
0x29c: {  	v5 =	vld [tilespmem:s20+$0x6800];
	v4 =	vmul.f32 $1.436156650e+01, v4;
	(erf) = vtanh.f32 v1;
	v10 =	vadd.f32 $1.570796370e+00, v11;
	v6 =	vpop (erf);
	[tilespmem:s12+$0x20] =	vst v3  }
0x29d: {  	s21 =	sadd.s32 $0x12000, s15;
	v2 =	vadd.f32 $1.570796370e+00, v2;
	v3 =	vld [tilespmem:s20+$0x6880];
	v6 =	vmul.f32 $1.570796370e+00, v6;
	v9 =	vpop (erf);
	[tilespmem:s6+$0xB0] =	vst v0  }
0x29e: {  	v0 =	vld [tilespmem:s20+$0x6900];
	(erf) = vtanh.f32 v4;
	v4 =	vmul.f32 $1.570796370e+00, v9;
	[tilespmem:s21+$0x180] =	vst v10;
	v1 =	vpop (erf)  }
0x29f: {  	v6 =	vadd.f32 $1.570796370e+00, v6;
	v1 =	vmul.f32 $1.570796370e+00, v1;
	v9 =	vld [tilespmem:s11+$0x69D0];
	[tilespmem:s12+$0xA0] =	vst v2;
	v2 =	vmul.f32 $2.872313310e+01, v7;
	v7 =	vpop (erf)  }
0x2a0: {  	v8 =	vmul.f32 $1.436156650e+01, v8;
	v4 =	vadd.f32 $1.570796370e+00, v4;
	v10 =	vld [tilespmem:s2+$0x6870];
	v7 =	vmul.f32 $1.570796370e+00, v7  }
0x2a1: {  	v5 =	vmul.f32 $1.436156650e+01, v5;
	[tilespmem:s15+$0x12000] =	vst v6;
	v12 =	vadd.f32 $1.570796370e+00, v1;
	v6 =	vld [tilespmem:s2+$0x68F0];
	v11 =	vpop (erf);
	(erf) = vtanh.f32 v2;
	s15 =	smov.u32 s16  }
0x2a2: {  	v13 =	vmul.f32 $1.436156650e+01, v3;
	(erf) = vtanh.f32 v8;
	v3 =	vpop (erf);
	v8 =	vld [tilespmem:s11+$0x6850];
	[tilespmem:s21+$0x80] =	vst v4;
	v4 =	vadd.f32 $1.570796370e+00, v7  }
0x2a3: {  	v0 =	vmul.f32 $1.436156650e+01, v0;
	v3 =	vmul.f32 $3.141592740e+00, v3;
	v7 =	vld [tilespmem:s11+$0x68D0];
	[tilespmem:s21+$0x100] =	vst v12  }
0x2a4: {  	(erf) = vtanh.f32 v5;
	v1 =	vpop (erf);
	v5 =	vld [tilespmem:s11+$0x6950];
	v9 =	vmul.f32 $2.872313310e+01, v9;
	[tilespmem:s6+$0x130] =	vst v4;
	s6 =	smov.u32 s12;
	s12 =	smov.u32 s21  }
0x2a5: {  	(erf) = vtanh.f32 v13;
	v1 =	vmul.f32 $3.141592740e+00, v1;
	[tilespmem:s15+$0xF1A0] =	vst v3;
	v2 =	vpop (erf)  }
0x2a6: {  	v2 =	vmul.f32 $3.141592740e+00, v2;
	v3 =	vld [tilespmem:s14+$0x69B0];
	(erf) = vtanh.f32 v9  }
0x2a7: {  	(erf) = vtanh.f32 v0;
	[tilespmem:s15+$0xF020] =	vst v1;
	v0 =	vpop (erf);
	v8 =	vmul.f32 $2.872313310e+01, v8  }
0x2a8: {  	s18 =	sadd.s32 $0x4, s18;
	v4 =	vld [tilespmem:s14+$0x6830];
	[tilespmem:s15+$0xF0A0] =	vst v2;
	v0 =	vmul.f32 $3.141592740e+00, v0;
	v9 =	vmul.f32 $2.872313310e+01, v7  }
0x2a9: {  	s16 =	smulhi.u32 $0xCCCCCCCD, s18;
	v7 =	vld [tilespmem:s14+$0x68B0];
	v5 =	vmul.f32 $2.872313310e+01, v5;
	(erf) = vtanh.f32 v8  }
0x2aa: {  	[tilespmem:s15+$0xF120] =	vst v0;
	(erf) = vtanh.f32 v9;
	v0 =	vmul.f32 $1.570796370e+00, v11;
	v1 =	vpop (erf)  }
0x2ab: {  	s16 =	sshll.u32 s16, $0x5;
	v2 =	vpop (erf);
	v8 =	vld [tilespmem:s14+$0x6930];
	v3 =	vmul.f32 $1.436156650e+01, v3;
	v1 =	vmul.f32 $1.570796370e+00, v1  }
0x2ac: {  	s16 =	sand.u32 $0x3FFFFE00, s16;
	v9 =	vmul.f32 $3.141592740e+00, v2;
	(erf) = vtanh.f32 v5;
	v0 =	vadd.f32 $1.570796370e+00, v0  }
0x2ad: {  	s16 =	sadd.s32 s20, s16;
	v5 =	vpop (erf);
	v11 =	vmul.f32 $1.436156650e+01, v4;
	(erf) = vtanh.f32 v3;
	v12 =	vadd.f32 $1.570796370e+00, v1  }
0x2ae: {  	v3 =	vmul.f32 $3.141592740e+00, v5;
	[tilespmem:s16+$0xF180] =	vst v9;
	v2 =	vpop (erf);
	v5 =	vmul.f32 $1.436156650e+01, v7  }
0x2af: {  	v2 =	vmul.f32 $3.141592740e+00, v2;
	v7 =	vld [tilespmem:s20+$0x6990];
	(erf) = vtanh.f32 v11;
	v4 =	vpop (erf);
	[tilespmem:s6+$0x1B0] =	vst v12  }
0x2b0: {  	[tilespmem:s16+$0xF000] =	vst v3;
	v1 =	vpop (erf);
	v3 =	vmul.f32 $1.436156650e+01, v8;
	v9 =	vmul.f32 $1.570796370e+00, v4  }
0x2b1: {  	v8 =	vld [tilespmem:s20+$0x6810];
	[tilespmem:s16+$0xF080] =	vst v2;
	v11 =	vmul.f32 $3.141592740e+00, v1;
	(erf) = vtanh.f32 v5  }
0x2b2: {  	v5 =	vmul.f32 $2.872313310e+01, v10;
	v2 =	vld [tilespmem:s20+$0x6890];
	(erf) = vtanh.f32 v3;
	v3 =	vadd.f32 $1.570796370e+00, v9;
	v4 =	vpop (erf);
	[tilespmem:s6+$0x120] =	vst v0  }
0x2b3: {  	[tilespmem:s16+$0xF100] =	vst v11;
	v0 =	vmul.f32 $1.570796370e+00, v4;
	v1 =	vpop (erf);
	v4 =	vmul.f32 $2.872313310e+01, v6;
	v6 =	vld [tilespmem:s2+$0x6970];
	s2 =	smov.u32 s11;
	s11 =	smov.u32 s14;
	s14 =	smov.u32 s20  }
0x2b4: {  	v9 =	vld [tilespmem:s14+$0x6910];
	v11 =	vmul.f32 $1.436156650e+01, v7;
	v1 =	vmul.f32 $1.570796370e+00, v1;
	[tilespmem:s12+$0x190] =	vst v3  }
0x2b5: {  	v12 =	vadd.f32 $1.570796370e+00, v0;
	v3 =	vld [tilespmem:s2+$0x69E0];
	v10 =	vpop (erf);
	(erf) = vtanh.f32 v5  }
0x2b6: {  	v5 =	vmul.f32 $1.436156650e+01, v8;
	(erf) = vtanh.f32 v11;
	v7 =	vpop (erf);
	v1 =	vadd.f32 $1.570796370e+00, v1  }
0x2b7: {  	v2 =	vmul.f32 $1.436156650e+01, v2;
	v7 =	vmul.f32 $3.141592740e+00, v7;
	[tilespmem:s12+$0x10] =	vst v12  }
0x2b8: {  	(erf) = vtanh.f32 v5;
	v0 =	vpop (erf);
	v5 =	vld [tilespmem:s2+$0x6860];
	[tilespmem:s12+$0x90] =	vst v1;
	v1 =	vmul.f32 $1.570796370e+00, v10  }
0x2b9: {  	v8 =	vmul.f32 $1.436156650e+01, v9;
	(erf) = vtanh.f32 v2;
	[tilespmem:s15+$0xF1B0] =	vst v7;
	v2 =	vld [tilespmem:s2+$0x68E0]  }
0x2ba: {  	v0 =	vmul.f32 $3.141592740e+00, v0;
	v7 =	vld [tilespmem:s11+$0x69C0];
	v9 =	vpop (erf);
	v3 =	vmul.f32 $2.872313310e+01, v3  }
0x2bb: {  	v1 =	vadd.f32 $1.570796370e+00, v1;
	(erf) = vtanh.f32 v8;
	v8 =	vmul.f32 $3.141592740e+00, v9;
	v9 =	vpop (erf)  }
0x2bc: {  	[tilespmem:s15+$0xF030] =	vst v0;
	v0 =	vmul.f32 $3.141592740e+00, v9;
	(erf) = vtanh.f32 v3  }
0x2bd: {  	v6 =	vmul.f32 $2.872313310e+01, v6;
	v3 =	vld [tilespmem:s11+$0x6840];
	[tilespmem:s15+$0xF0B0] =	vst v8;
	v5 =	vmul.f32 $2.872313310e+01, v5  }
0x2be: {  	v8 =	vld [tilespmem:s11+$0x68C0];
	[tilespmem:s15+$0xF130] =	vst v0;
	v10 =	vmul.f32 $2.872313310e+01, v2;
	v2 =	vpop (erf);
	(erf) = vtanh.f32 v4  }
0x2bf: {  	v4 =	vpop (erf);
	v9 =	vld [tilespmem:s11+$0x6940];
	v7 =	vmul.f32 $2.872313310e+01, v7;
	[tilespmem:s12+$0x110] =	vst v1;
	(erf) = vtanh.f32 v5  }
0x2c0: {  	v5 =	vmul.f32 $3.141592740e+00, v4;
	v4 =	vld [tilespmem:s2+$0x6960];
	(erf) = vtanh.f32 v10  }
0x2c1: {  	v2 =	vmul.f32 $1.570796370e+00, v2;
	v0 =	vpop (erf);
	(erf) = vtanh.f32 v7  }
0x2c2: {  	v10 =	vmul.f32 $3.141592740e+00, v0;
	[tilespmem:s16+$0xF190] =	vst v5;
	v1 =	vpop (erf);
	v11 =	vmul.f32 $2.872313310e+01, v3  }
0x2c3: {  	v1 =	vmul.f32 $3.141592740e+00, v1;
	v5 =	vld [tilespmem:s14+$0x69A0];
	v7 =	vmul.f32 $2.872313310e+01, v8  }
0x2c4: {  	v2 =	vadd.f32 $1.570796370e+00, v2;
	[tilespmem:s16+$0xF010] =	vst v10;
	v0 =	vpop (erf);
	v8 =	vmul.f32 $2.872313310e+01, v9;
	(erf) = vtanh.f32 v11  }
0x2c5: {  	v9 =	vld [tilespmem:s14+$0x6820];
	[tilespmem:s16+$0xF090] =	vst v1;
	v10 =	vmul.f32 $3.141592740e+00, v0;
	(erf) = vtanh.f32 v7;
	v3 =	vpop (erf)  }
.Ltmp4:
0x2c6: {  	v1 =	vld [tilespmem:s14+$0x68A0];
	(erf) = vtanh.f32 v8;
	v3 =	vmul.f32 $1.570796370e+00, v3;
	[tilespmem:s6+$0x30] =	vst v2;
	(pc) =	sbr.rel @p0 .LBB2_9-.Ltmp4, $4  }
0x2c7: {  	v7 =	vmul.f32 $2.872313310e+01, v4;
	[tilespmem:s16+$0xF110] =	vst v10;
	v0 =	vpop (erf);
	(erf) = vtanh.f32 v6  }
0x2c8: {  	v4 =	vld [tilespmem:s14+$0x6920];
	v10 =	vmul.f32 $1.436156650e+01, v5;
	v8 =	vadd.f32 $1.570796370e+00, v3;
	v2 =	vpop (erf);
	v0 =	vmul.f32 $1.570796370e+00, v0  }
0x2c9: {  	v3 =	vmul.f32 $1.570796370e+00, v2;
	v2 =	vpop (erf);
	(erf) = vtanh.f32 v7  }
0x2ca: {  	s19 =	sadd.s32 $0x800, s19;
	v5 =	vmul.f32 $1.436156650e+01, v9;
	(erf) = vtanh.f32 v10;
	v6 =	vpop (erf);
	[tilespmem:s12+$0x1A0] =	vst v8  }
0x2cb: {  	_ = 	snop  }
0x2cc: {  	v1 =	vmul.f32 $1.436156650e+01, v1;
	v6 =	vmul.f32 $1.570796370e+00, v6  }
0x2cd: {  	(erf) = vtanh.f32 v5;
	v4 =	vmul.f32 $1.436156650e+01, v4;
	v33 =	vpop (erf)  }
0x2ce: {  	(erf) = vtanh.f32 v1;
	v1 =	vmul.f32 $1.570796370e+00, v33  }
0x2cf: {  	v34 =	vadd.f32 $1.570796370e+00, v6;
	v35 =	vpop (erf)  }
0x2d0: {  	s17 =	sadd.s32 $0x12000, s15;
	(erf) = vtanh.f32 v4;
	v36 =	vmul.f32 $1.570796370e+00, v35  }
0x2d1: {  	v37 =	vld [tilespmem:s2+$0x69F0];
	[tilespmem:s17+$0x180] =	vst v34;
	v38 =	vpop (erf);
	v7 =	vadd.f32 $1.570796370e+00, v1  }
0x2d2: {  	v5 =	vmul.f32 $1.570796370e+00, v38;
	v8 =	vld [tilespmem:s11+$0x69D0];
	v4 =	vadd.f32 $1.570796370e+00, v36;
	v1 =	vpop (erf)  }
0x2d3: {  	[tilespmem:s15+$0x12000] =	vst v7;
	v39 =	vpop (erf)  }
0x2d4: {  	v5 =	vadd.f32 $1.570796370e+00, v5;
	v10 =	vld [tilespmem:s11+$0x6850];
	[tilespmem:s17+$0x80] =	vst v4;
	v9 =	vpop (erf)  }
0x2d5: {  	v41 =	vld [tilespmem:s11+$0x68D0];
	v40 =	vmul.f32 $3.141592740e+00, v9  }
0x2d6: {  	v6 =	vmul.f32 $2.872313310e+01, v37;
	[tilespmem:s17+$0x100] =	vst v5;
	v42 =	vpop (erf)  }
0x2d7: {  	v11 =	vld [tilespmem:s11+$0x6950];
	v8 =	vmul.f32 $2.872313310e+01, v8;
	v5 =	vmul.f32 $3.141592740e+00, v42;
	v43 =	vpop (erf);
	[tilespmem:s16+$0xF1A0] =	vst v40  }
0x2d8: {  	(erf) = vtanh.f32 v6;
	v4 =	vmul.f32 $3.141592740e+00, v43;
	v44 =	vld [tilespmem:s14+$0x69B0]  }
0x2d9: {  	(erf) = vtanh.f32 v8;
	[tilespmem:s16+$0xF020] =	vst v5;
	v45 =	vpop (erf);
	v46 =	vmul.f32 $2.872313310e+01, v10  }
0x2da: {  	v47 =	vld [tilespmem:s14+$0x6830];
	[tilespmem:s16+$0xF0A0] =	vst v4;
	v48 =	vmul.f32 $3.141592740e+00, v45;
	v49 =	vmul.f32 $2.872313310e+01, v41  }
0x2db: {  	v50 =	vld [tilespmem:s14+$0x68B0];
	(erf) = vtanh.f32 v46  }
0x2dc: {  	v51 =	vmul.f32 $2.872313310e+01, v11;
	[tilespmem:s16+$0xF120] =	vst v48;
	(erf) = vtanh.f32 v49  }
0x2dd: {  	v4 =	vld [tilespmem:s14+$0x6930];
	v52 =	vmul.f32 $1.436156650e+01, v44  }
0x2de: {  	(erf) = vtanh.f32 v51  }
0x2df: {  	v53 =	vmul.f32 $1.436156650e+01, v47;
	(erf) = vtanh.f32 v52  }
0x2e0: {  	v54 =	vmul.f32 $1.436156650e+01, v50  }
0x2e1: {  	v55 =	vmul.f32 $1.570796370e+00, v2;
	v2 =	vpop (erf);
	(erf) = vtanh.f32 v53  }
0x2e2: {  	v56 =	vpop (erf);
	v4 =	vmul.f32 $1.436156650e+01, v4;
	(erf) = vtanh.f32 v54  }
0x2e3: {  	v3 =	vadd.f32 $1.570796370e+00, v3;
	v57 =	vmul.f32 $1.570796370e+00, v56  }
0x2e4: {  	v58 =	vadd.f32 $1.570796370e+00, v55;
	(erf) = vtanh.f32 v4;
	v59 =	vpop (erf)  }
0x2e5: {  	[tilespmem:s12+$0x20] =	vst v3;
	v60 =	vadd.f32 $1.570796370e+00, v57;
	v4 =	vmul.f32 $1.570796370e+00, v59;
	v61 =	vpop (erf)  }
0x2e6: {  	v62 =	vld [tilespmem:s2+$0x6870];
	[tilespmem:s12+$0xA0] =	vst v58;
	v5 =	vmul.f32 $1.570796370e+00, v61  }
0x2e7: {  	v63 =	vld [tilespmem:s2+$0x68F0];
	[tilespmem:s17+$0x190] =	vst v60;
	v16 =	vpop (erf);
	v15 =	vadd.f32 $1.570796370e+00, v4  }
0x2e8: {  	v17 =	vld [tilespmem:s11+$0x69E0];
	v5 =	vadd.f32 $1.570796370e+00, v5;
	v18 =	vpop (erf)  }
0x2e9: {  	[tilespmem:s17+$0x10] =	vst v15;
	v10 =	vmul.f32 $3.141592740e+00, v18  }
0x2ea: {  	v19 =	vpop (erf);
	v20 =	vld [tilespmem:s11+$0x6860];
	[tilespmem:s17+$0x90] =	vst v5  }
0x2eb: {  	v5 =	vld [tilespmem:s11+$0x68E0];
	v3 =	vmul.f32 $3.141592740e+00, v19;
	v21 =	vpop (erf);
	[tilespmem:s16+$0xF1B0] =	vst v10  }
0x2ec: {  	v6 =	vmul.f32 $2.872313310e+01, v62;
	v10 =	vmul.f32 $3.141592740e+00, v21;
	v12 =	vld [tilespmem:s14+$0x69C0]  }
0x2ed: {  	v8 =	vmul.f32 $2.872313310e+01, v63;
	v4 =	vmul.f32 $2.872313310e+01, v17;
	v13 =	vpop (erf);
	[tilespmem:s16+$0xF030] =	vst v3  }
0x2ee: {  	(erf) = vtanh.f32 v6;
	v22 =	vmul.f32 $3.141592740e+00, v13;
	v23 =	vld [tilespmem:s14+$0x6840];
	[tilespmem:s16+$0xF0B0] =	vst v10  }
0x2ef: {  	(erf) = vtanh.f32 v4;
	v24 =	vmul.f32 $2.872313310e+01, v20;
	v10 =	vld [tilespmem:s14+$0x68C0]  }
0x2f0: {  	(erf) = vtanh.f32 v8;
	[tilespmem:s16+$0xF130] =	vst v22;
	v25 =	vmul.f32 $2.872313310e+01, v5  }
0x2f1: {  	v26 =	vld [tilespmem:s14+$0x6940];
	(erf) = vtanh.f32 v24;
	v27 =	vmul.f32 $2.872313310e+01, v12  }
0x2f2: {  	(erf) = vtanh.f32 v25  }
0x2f3: {  	v28 =	vmul.f32 $2.872313310e+01, v23;
	(erf) = vtanh.f32 v27  }
0x2f4: {  	v29 =	vmul.f32 $2.872313310e+01, v10  }
0x2f5: {  	(erf) = vtanh.f32 v28  }
0x2f6: {  	v5 =	vmul.f32 $2.872313310e+01, v26;
	(erf) = vtanh.f32 v29  }
0x2f7: {  	v3 =	vpop (erf)  }
0x2f8: {  	v30 =	vpop (erf);
	(erf) = vtanh.f32 v5  }
0x2f9: {  	v4 =	vpop (erf)  }
0x2fa: {  	v31 =	vmul.f32 $1.570796370e+00, v39;
	v32 =	vpop (erf)  }
0x2fb: {  	v33 =	vmul.f32 $1.570796370e+00, v16;
	v34 =	vpop (erf)  }
0x2fc: {  	v5 =	vadd.f32 $1.570796370e+00, v31;
	v6 =	vmul.f32 $1.570796370e+00, v30;
	v35 =	vpop (erf)  }
0x2fd: {  	v8 =	vadd.f32 $1.570796370e+00, v33;
	v10 =	vmul.f32 $1.570796370e+00, v35  }
0x2fe: {  	[tilespmem:s12+$0x120] =	vst v5;
	v36 =	vadd.f32 $1.570796370e+00, v6;
	v37 =	vpop (erf)  }
0x2ff: {  	[tilespmem:s17+$0x110] =	vst v8;
	v38 =	vld [tilespmem:s2+$0x6970];
	v6 =	vmul.f32 $1.570796370e+00, v37;
	v40 =	vpop (erf);
	v39 =	vadd.f32 $1.570796370e+00, v10  }
0x300: {  	s15 =	sadd.s32 $0x12000, s16;
	v41 =	vld [tilespmem:s11+$0x6960];
	[tilespmem:s17+$0x1A0] =	vst v36;
	v42 =	vmul.f32 $1.570796370e+00, v40  }
0x301: {  	v43 =	vld [tilespmem:s11+$0x69F0];
	v44 =	vpop (erf);
	v6 =	vadd.f32 $1.570796370e+00, v6;
	[tilespmem:s15+$0x180] =	vst v39  }
0x302: {  	v8 =	vmul.f32 $1.570796370e+00, v44;
	v5 =	vadd.f32 $1.570796370e+00, v42;
	v45 =	vld [tilespmem:s14+$0x69D0]  }
0x303: {  	[tilespmem:s16+$0x12000] =	vst v6  }
0x304: {  	v46 =	vmul.f32 $2.872313310e+01, v38;
	v8 =	vadd.f32 $1.570796370e+00, v8;
	v47 =	vld [tilespmem:s14+$0x6850];
	[tilespmem:s15+$0x80] =	vst v5  }
0x305: {  	v48 =	vmul.f32 $2.872313310e+01, v41;
	v49 =	vld [tilespmem:s14+$0x68D0]  }
0x306: {  	(erf) = vtanh.f32 v46;
	v50 =	vmul.f32 $2.872313310e+01, v43;
	[tilespmem:s15+$0x100] =	vst v8  }
0x307: {  	(erf) = vtanh.f32 v48;
	v51 =	vld [tilespmem:s14+$0x6950];
	v52 =	vmul.f32 $2.872313310e+01, v45  }
0x308: {  	(erf) = vtanh.f32 v50  }
0x309: {  	v53 =	vmul.f32 $2.872313310e+01, v47;
	(erf) = vtanh.f32 v52  }
0x30a: {  	v54 =	vmul.f32 $2.872313310e+01, v49  }
0x30b: {  	(erf) = vtanh.f32 v53  }
0x30c: {  	v5 =	vmul.f32 $2.872313310e+01, v51;
	(erf) = vtanh.f32 v54;
	_ =	sdelay $0x1  }
0x30d: {  	(erf) = vtanh.f32 v5  }
0x30e: {  	v55 =	vpop (erf)  }
0x30f: {  	v56 =	vpop (erf)  }
0x310: {  	v57 =	vpop (erf)  }
0x311: {  	v7 =	vmul.f32 $1.570796370e+00, v32;
	v58 =	vpop (erf)  }
0x312: {  	v10 =	vmul.f32 $1.570796370e+00, v58  }
0x313: {  	v9 =	vmul.f32 $1.570796370e+00, v34;
	v7 =	vadd.f32 $1.570796370e+00, v7;
	v59 =	vpop (erf)  }
0x314: {  	v11 =	vmul.f32 $1.570796370e+00, v59;
	v60 =	vpop (erf);
	v10 =	vadd.f32 $1.570796370e+00, v10  }
0x315: {  	v61 =	vadd.f32 $1.570796370e+00, v9;
	[tilespmem:s17+$0x20] =	vst v7;
	v62 =	vmul.f32 $1.570796370e+00, v60  }
0x316: {  	v63 =	vld [tilespmem:s11+$0x6870];
	v6 =	vmul.f32 $1.570796370e+00, v56;
	v16 =	vadd.f32 $1.570796370e+00, v11;
	v17 =	vpop (erf);
	[tilespmem:s15+$0x190] =	vst v10  }
0x317: {  	[tilespmem:s17+$0xA0] =	vst v61;
	v9 =	vadd.f32 $1.570796370e+00, v62;
	v11 =	vmul.f32 $1.570796370e+00, v17;
	v18 =	vld [tilespmem:s14+$0x69E0]  }
0x318: {  	v19 =	vld [tilespmem:s11+$0x68F0];
	v6 =	vadd.f32 $1.570796370e+00, v6;
	[tilespmem:s15+$0x10] =	vst v16  }
0x319: {  	v10 =	vld [tilespmem:s14+$0x6860];
	[tilespmem:s15+$0x90] =	vst v9;
	v20 =	vadd.f32 $1.570796370e+00, v11  }
0x31a: {  	[tilespmem:s17+$0x120] =	vst v6;
	v21 =	vld [tilespmem:s14+$0x68E0]  }
0x31b: {  	v22 =	vmul.f32 $2.872313310e+01, v63;
	v23 =	vld [tilespmem:s11+$0x6970];
	[tilespmem:s15+$0x110] =	vst v20  }
0x31c: {  	v9 =	vld [tilespmem:s14+$0x6960];
	v7 =	vmul.f32 $2.872313310e+01, v18  }
0x31d: {  	v13 =	vmul.f32 $2.872313310e+01, v19;
	(erf) = vtanh.f32 v22  }
0x31e: {  	v24 =	vmul.f32 $2.872313310e+01, v10;
	(erf) = vtanh.f32 v7  }
0x31f: {  	v6 =	vmul.f32 $2.872313310e+01, v21;
	(erf) = vtanh.f32 v13  }
0x320: {  	v25 =	vmul.f32 $2.872313310e+01, v23;
	(erf) = vtanh.f32 v24  }
0x321: {  	v26 =	vmul.f32 $2.872313310e+01, v9;
	(erf) = vtanh.f32 v6  }
0x322: {  	(erf) = vtanh.f32 v25  }
0x323: {  	(erf) = vtanh.f32 v26;
	_ =	sdelay $0x2  }
0x324: {  	v27 =	vpop (erf)  }
0x325: {  	v28 =	vpop (erf)  }
0x326: {  	v29 =	vpop (erf)  }
0x327: {  	v30 =	vpop (erf)  }
0x328: {  	v7 =	vmul.f32 $1.570796370e+00, v28;
	v31 =	vpop (erf)  }
0x329: {  	v10 =	vmul.f32 $1.570796370e+00, v30;
	v32 =	vpop (erf)  }
0x32a: {  	v7 =	vadd.f32 $1.570796370e+00, v7;
	v11 =	vmul.f32 $1.570796370e+00, v31;
	v33 =	vpop (erf)  }
0x32b: {  	v10 =	vadd.f32 $1.570796370e+00, v10;
	v34 =	vmul.f32 $1.570796370e+00, v33  }
0x32c: {  	[tilespmem:s15+$0x1A0] =	vst v7;
	v36 =	vadd.f32 $1.570796370e+00, v11  }
0x32d: {  	v35 =	vld [tilespmem:s14+$0x69F0];
	[tilespmem:s15+$0x20] =	vst v10;
	v7 =	vadd.f32 $1.570796370e+00, v34  }
0x32e: {  	v37 =	vld [tilespmem:s14+$0x6870];
	[tilespmem:s15+$0xA0] =	vst v36  }
0x32f: {  	v10 =	vld [tilespmem:s14+$0x68F0];
	[tilespmem:s15+$0x120] =	vst v7  }
0x330: {  	v7 =	vld [tilespmem:s14+$0x6970];
	_ =	sdelay $0x1  }
0x331: {  	v13 =	vmul.f32 $2.872313310e+01, v35  }
0x332: {  	v1 =	vmul.f32 $1.570796370e+00, v1;
	v11 =	vmul.f32 $2.872313310e+01, v37  }
0x333: {  	(erf) = vtanh.f32 v13;
	v10 =	vmul.f32 $2.872313310e+01, v10  }
0x334: {  	(erf) = vtanh.f32 v11;
	v7 =	vmul.f32 $2.872313310e+01, v7  }
0x335: {  	v0 =	vadd.f32 $1.570796370e+00, v0;
	v2 =	vmul.f32 $1.570796370e+00, v2;
	(erf) = vtanh.f32 v10  }
0x336: {  	v1 =	vadd.f32 $1.570796370e+00, v1;
	v3 =	vmul.f32 $1.570796370e+00, v3;
	(erf) = vtanh.f32 v7  }
0x337: {  	[tilespmem:s6+$0xB0] =	vst v0;
	v38 =	vadd.f32 $1.570796370e+00, v2;
	v39 =	vmul.f32 $1.570796370e+00, v4  }
0x338: {  	[tilespmem:s6+$0x130] =	vst v1;
	v40 =	vadd.f32 $1.570796370e+00, v3;
	v41 =	vmul.f32 $1.570796370e+00, v55  }
0x339: {  	[tilespmem:s12+$0x1B0] =	vst v38;
	v42 =	vadd.f32 $1.570796370e+00, v39;
	v43 =	vmul.f32 $1.570796370e+00, v57  }
0x33a: {  	[tilespmem:s12+$0x30] =	vst v40;
	v44 =	vadd.f32 $1.570796370e+00, v41;
	v45 =	vmul.f32 $1.570796370e+00, v27  }
0x33b: {  	[tilespmem:s12+$0xB0] =	vst v42;
	v46 =	vadd.f32 $1.570796370e+00, v43;
	v47 =	vmul.f32 $1.570796370e+00, v29  }
0x33c: {  	[tilespmem:s12+$0x130] =	vst v44;
	v48 =	vadd.f32 $1.570796370e+00, v45;
	v49 =	vmul.f32 $1.570796370e+00, v32;
	v50 =	vpop (erf)  }
0x33d: {  	[tilespmem:s17+$0x1B0] =	vst v46;
	v51 =	vadd.f32 $1.570796370e+00, v47;
	v52 =	vmul.f32 $1.570796370e+00, v50;
	v53 =	vpop (erf)  }
0x33e: {  	[tilespmem:s17+$0x30] =	vst v48;
	v54 =	vadd.f32 $1.570796370e+00, v49;
	v55 =	vmul.f32 $1.570796370e+00, v53;
	v56 =	vpop (erf)  }
0x33f: {  	[tilespmem:s17+$0xB0] =	vst v51;
	v57 =	vadd.f32 $1.570796370e+00, v52;
	v58 =	vmul.f32 $1.570796370e+00, v56;
	v59 =	vpop (erf)  }
0x340: {  	s16 =	sshll.u32 s9, $0x2;
	[tilespmem:s17+$0x130] =	vst v54;
	v60 =	vadd.f32 $1.570796370e+00, v55;
	v61 =	vmul.f32 $1.570796370e+00, v59  }
0x341: {  	s6 =	sadd.s32 s7, s16;
	[tilespmem:s15+$0x1B0] =	vst v57;
	v62 =	vadd.f32 $1.570796370e+00, v58  }
0x342: {  	s6 =	smul.u32 $0x180, s6;
	[tilespmem:s15+$0x30] =	vst v60;
	v63 =	vadd.f32 $1.570796370e+00, v61  }
0x343: {  	[tilespmem:s15+$0xB0] =	vst v62  }
0x344: {  	s17 =	sadd.s32 s4, s6;
	[tilespmem:s15+$0x130] =	vst v63  }
0x345: {  	[hbm4b:s17+s3] =	stream.linear.scatter [tilespmem:s24], [sflag:$0x4], $0xA00, $0x38;
	[tilespmem:$0x15000] =	vst v63  }
0x346: {  	s18 =	sadd.s32 $0x180, s17  }
0x347: {  	[hbm4b:s18+s3] =	stream.linear.scatter [tilespmem:s25], [sflag:$0x4], $0xA00, $0x38;
	[tilespmem:$0x15000] =	vst v63  }
0x348: {  	s19 =	sadd.s32 $0x300, s17  }
0x349: {  	[hbm4b:s19+s3] =	stream.linear.scatter [tilespmem:s26], [sflag:$0x4], $0xA00, $0x38;
	[tilespmem:$0x15000] =	vst v63  }
0x34a: {  	s2 =	sadd.s32 $0x480, s17  }
0x34b: {  	[hbm4b:s2+s3] =	stream.linear.scatter [tilespmem:s28], [sflag:$0x4], $0xA00, $0x38;
	[tilespmem:$0x15000] =	vst v63  }
0x34c: {  	s20 =	sadd.s32 s5, s6  }
0x34d: {  	[hbm4b:s20+s3] =	stream.linear.scatter [tilespmem:s29], [sflag:$0x4], $0xA00, $0x38;
	[tilespmem:$0x15000] =	vst v63  }
0x34e: {  	p0 =	sne.s32 s8, $0x40;
	s6 =	sadd.s32 $0x180, s20  }
0x34f: {  	[hbm4b:s6+s3] =	stream.linear.scatter [tilespmem:s30], [sflag:$0x4], $0xA00, $0x38;
	[tilespmem:$0x15000] =	vst v63  }
.Ltmp5:
0x350: {  	_ = 	snop;
	(pc) =	sbr.rel @p0 .LBB2_2-.Ltmp5, $4  }
0x351: {  	s21 =	sadd.s32 $0x300, s20  }
0x352: {  	[hbm4b:s21+s3] =	stream.linear.scatter [tilespmem:s31], [sflag:$0x4], $0xA00, $0x38;
	[tilespmem:$0x15000] =	vst v63  }
0x353: {  	s2 =	sadd.s32 $0x480, s20  }
0x354: {  	[hbm4b:s2+s3] =	stream.linear.scatter [tilespmem:s0], [sflag:$0x4], $0xA00, $0x38;
	[tilespmem:$0x15000] =	vst v63  }
0x355: {  	s2 =	simm.s32 $0x3  }
0x356: {  	_ =	swait.ge [sflag:s2], $0x2800  }
0x357: {  	[sflag:s2] =	ssyncset.done $0x0  }
0x358: {  	[sflag:s2] =	ssyncadd.s32 $0xFFFFD800  }
0x359: {  	_ =	swait.ge [sflag:s2], $0x2800  }
0x35a: {  	[sflag:s2] =	ssyncset.done $0x0  }
0x35b: {  	[sflag:s2] =	ssyncadd.s32 $0xFFFFD800  }
0x35c: {  	_ =	swait.ge [sflag:s23], $0x2800  }
0x35d: {  	[sflag:s23] =	ssyncset.done $0x0  }
0x35e: {  	[sflag:s23] =	ssyncadd.s32 $0xFFFFD800  }
0x35f: {  	_ =	swait.ge [sflag:s23], $0x2800  }
0x360: {  	s6 =	rddreg [dreg:$0x6]  }
0x361: {  	s21 =	rddreg [dreg:$0x5];
	s6 =	sadd.s32 $0x1, s6  }
0x362: {  	p0 =	sne.s32 s6, s21  }
.Ltmp6:
0x363: {  	_ = 	snop;
	(pc) =	sbr.rel @p0 .LBB2_1-.Ltmp6, $3  }
0x364: {  	_ =	sdelay $0x1  }
0x365: {  	[sflag:s23] =	ssyncset.done $0x0  }
0x366: {  	[sflag:s23] =	ssyncadd.s32 $0xFFFFD800  }
0x367: {  	_ =	sfence.sel $0x180000  }
0x368: {  	[bflag:$0x0] =	sbarrier.arrive $0xFFFF  }
0x369: {  	_ =	strace $0x90000047  }
0x36a: {  	s0 =	stileid.u32;
	[bflag:$0x2] =	sbarrier.arrive $0xFFFF  }
0x36b: {  	p0 =	sne.s32 s0, $0x0;
	s0 =	rddreg [dreg:$0x3]  }
0x36c: {  	s0 =	sadd.s32 @!p0 $0x100000, s0  }
0x36d: {  	[sflag:s0] =	ssyncadd.tile.s32 @!p0 $0x1;
	_ =	shalt  }
.Lfunc_end2:
_tile_overlayer_lowered:
.L_overlay_start_2:
0x36e: {  	(tag) =	ssettag $0x2  }
0x36f: {  	s0 =	rddreg [dreg:$0x0];
	s2 =	stileid.u32  }
0x370: {  	s1 =	rddreg [dreg:$0x1];
	p0 =	sne.s32 s2, $0x0  }
0x371: {  	s3 =	rddreg [dreg:$0x2];
	[bflag:$0x3] =	sbarrier.arrive $0xFFFF;
	s2 =	simm.s32 @!p0 $0x1C05  }
0x372: {  	[timem:s3], [sflag:s2] =	dma.local @!p0 [hbm:s0], s1  }
0x373: {  	s0 =	simm.s32 @!p0 $0x5  }
0x374: {  	_ =	swait.ge @!p0 [sflag:s0], s1  }
0x375: {  	s1 =	ssub.s32 @!p0 $0x0, s1;
	[sflag:s0] =	ssyncset.done @!p0 $0x0  }
0x376: {  	[sflag:s0] =	ssyncadd.s32 @!p0 s1  }
0x377: {  	[bflag:$0x3] =	sbarrier.arrive $0xFFFF  }
0x378: {  	_ =	shalt  }

</sc_bundles>
